<compile_context>
chip_gen: v7x
topology: tpu7x:2x2x1
jax: 0.10.2.dev20260603
libtpu: 0.0.44.dev20260713+nightly
codegen_flags: <defaults>
</compile_context>

<pallas_src>
import functools

import jax
import jax.numpy as jnp
from jax import lax
from jax.experimental import pallas as pl
from jax.experimental.pallas import tpu as pltpu
from jax.experimental.pallas import tpu_sc as plsc

_NUM_ITEMS = 256
_NUM_NESTS = 16
_NUM_NODES = 1 + _NUM_NESTS + _NUM_ITEMS
_B = 512
_S = 20
_NC = 2
_NS = 16
_NW = _NC * _NS
_ROWS = _B // _NW
_L = 16


def _ln(x):
    bits = lax.bitcast_convert_type(x, jnp.int32)
    y = bits.astype(jnp.float32) * jnp.float32(8.2629582e-08) - jnp.float32(87.98997156)
    for _ in range(2):
        y = y + x * jnp.exp(-y) - jnp.float32(1.0)
    return y


def _nested_logit_body(x_hbm, len_hbm, w_hbm, out_hbm,
                       x_v, len_v, w_v, out_v, mark_i, mark_n, acc, sems):
    wid = lax.axis_index("s") * _NC + lax.axis_index("c")
    base = wid * _ROWS
    col = (wid % 8) * _ROWS
    cp_x = pltpu.async_copy(
        x_hbm.at[:, pl.ds(pl.multiple_of((wid // 8) * 128, 128), 128)],
        x_v, sems.at[0])
    cp_l = pltpu.async_copy(len_hbm.at[pl.ds(base, _ROWS)], len_v, sems.at[1])
    cp_w = pltpu.async_copy(w_hbm, w_v, sems.at[2])
    cp_x.wait()
    cp_l.wait()
    cp_w.wait()

    lanes = lax.iota(jnp.int32, _L)

    seg = w_v[pl.ds(_NUM_ITEMS, _L)]
    w_v[pl.ds(_NUM_ITEMS, _L)] = jnp.where(lanes == 0, jnp.float32(0.0), seg)

    def _pos(s):
        xs = plsc.load_gather(x_v, [jnp.broadcast_to(s, (_L,)), col + lanes])
        gs = jnp.right_shift(xs, 4)
        return xs, gs

    neg_inf = jnp.float32(-jnp.inf)

    def _phase_a(s, carry):
        c, cn = carry
        xs, gs = _pos(s)
        sv = jnp.broadcast_to(s, (_L,))
        plsc.store_scatter(mark_i, [xs, lanes], sv)
        plsc.store_scatter(mark_n, [gs, lanes], sv)
        u = plsc.load_gather(w_v, [xs + 17])
        nu = plsc.load_gather(w_v, [gs + 1])
        return jnp.maximum(c, u), jnp.maximum(cn, nu)

    c, cn = lax.fori_loop(
        0, _S, _phase_a,
        (jnp.full((_L,), neg_inf), jnp.full((_L,), neg_inf)))

    zero = jnp.zeros((_L,), jnp.float32)

    def _init_acc(g, carry):
        acc[g, :] = zero
        return carry

    lax.fori_loop(0, _NUM_NESTS, _init_acc, 0)

    def _phase_b(s, sr):
        xs, gs = _pos(s)
        u = plsc.load_gather(w_v, [xs + 17])
        nu = plsc.load_gather(w_v, [gs + 1])
        fi = plsc.load_gather(mark_i, [xs, lanes]) == s
        fn = plsc.load_gather(mark_n, [gs, lanes]) == s
        e = jnp.where(fi, jnp.exp(u - c), jnp.float32(0.0))
        plsc.addupdate_scatter(acc, [gs, lanes], e)
        return sr + jnp.where(fn, jnp.exp(nu - cn), jnp.float32(0.0))

    sr = lax.fori_loop(0, _S, _phase_b, zero)

    ccn = c + cn
    lens = len_v[:]

    def _phase_c(s, carry):
        xs, gs = _pos(s)
        u = plsc.load_gather(w_v, [xs + 17])
        nu = plsc.load_gather(w_v, [gs + 1])
        a = plsc.load_gather(acc, [gs, lanes])
        val = u + nu - ccn - _ln(a * sr)
        val = jnp.where(lens > s, val, neg_inf)
        plsc.store_scatter(out_v, [jnp.broadcast_to(s, (_L,)), lanes], val)
        return carry

    lax.fori_loop(0, _S, _phase_c, 0)

    cps = [pltpu.async_copy(out_v.at[s], out_hbm.at[pl.ds(s * _B + base, _ROWS)],
                            sems.at[3]) for s in range(_S)]
    for cp in cps:
        cp.wait()


@functools.cache
def _build_sc_kernel():
    mesh = plsc.VectorSubcoreMesh(core_axis_name="c", subcore_axis_name="s")
    return pl.kernel(
        _nested_logit_body,
        mesh=mesh,
        compiler_params=pltpu.CompilerParams(needs_layout_passes=False),
        out_type=jax.ShapeDtypeStruct((_B * _S,), jnp.float32),
        scratch_types=[
            pltpu.VMEM((_S, 128), jnp.int32),
            pltpu.VMEM((_ROWS,), jnp.int32),
            pltpu.VMEM((_NUM_NODES + 1,), jnp.float32),
            pltpu.VMEM((_S, _ROWS), jnp.float32),
            pltpu.VMEM((_NUM_ITEMS, _L), jnp.int32),
            pltpu.VMEM((_NUM_NESTS, _L), jnp.int32),
            pltpu.VMEM((_NUM_NESTS, _L), jnp.float32),
            pltpu.SemaphoreType.DMA((4,)),
        ],
    )


def kernel(x, x_lengths, weight, leaf_ancestor_matrix, inf_adjacency_matrix):
    del leaf_ancestor_matrix, inf_adjacency_matrix
    Bn, Sn = x.shape
    out_t = _build_sc_kernel()(x.T, x_lengths, weight.reshape(_NUM_NODES + 1))
    return out_t.reshape(Sn, Bn).T.reshape(Bn, Sn, 1)

# --- scband reference (transcript-rebuilt; emitter-appended) ---
"""Pipeline reference for scband-torch-nl-45844480918289 (READ-ONLY COPY).

The authoritative reference and input builder live on the scoring server;
editing this copy changes nothing except your own understanding.
"""

import jax, jax.numpy as jnp
import numpy as np

NUM_ITEMS = 256
NUM_NESTS = 16
GROUP = NUM_ITEMS // NUM_NESTS
NUM_NODES = 1 + NUM_NESTS + NUM_ITEMS  # 273
PAD = NUM_ITEMS  # padding_idx of the utilities Embedding
B = 512
S = 20


def _build_tree_matrices():
    # root = node 0; nests = 1..16; leaf for item i = 17 + i
    lam = np.full((NUM_ITEMS + 1, NUM_NODES), -np.inf, dtype=np.float32)
    adj = np.full((NUM_NODES, NUM_NODES), -np.inf, dtype=np.float32)
    for g in range(NUM_NESTS):
        adj[0, 1 + g] = np.inf
    for i in range(NUM_ITEMS):
        leaf = 1 + NUM_NESTS + i
        nest = 1 + i // GROUP
        # ancestors excluding root (torch loop stops when current.parent is None)
        lam[i, leaf] = 1.0
        lam[i, nest] = 1.0
        adj[nest, leaf] = np.inf
    return jnp.asarray(lam), jnp.asarray(adj)


def setup_inputs(seed: int = 0):
    key = jax.random.key(seed)
    k1, k2, k3 = jax.random.split(key, 3)
    lam, adj = _build_tree_matrices()
    x = jax.random.randint(k1, (B, S), 0, NUM_ITEMS, dtype=jnp.int32)
    x_lengths = jax.random.randint(k2, (B,), 0, S, dtype=jnp.int32)
    # utilities Embedding weight: [num_nodes + 1, 1], init randn / sqrt(num_embeddings)
    weight = jax.random.normal(k3, (NUM_NODES + 1, 1), dtype=jnp.float32) / np.sqrt(NUM_NODES + 1)
    return {
        'x': x,
        'x_lengths': x_lengths,
        'weight': weight,
        'leaf_ancestor_matrix': lam,
        'inf_adjacency_matrix': adj,
    }


def reference(x, x_lengths, weight, leaf_ancestor_matrix, inf_adjacency_matrix):
    Bn, Sn = x.shape
    # Embedding forward zeroes the padding row each call (under no_grad in torch)
    w = weight.at[PAD].set(0.0)
    idx = jnp.tile(jnp.arange(NUM_NODES)[None, :], (Bn, 1))
    utilities = jnp.take(w, idx, axis=0)  # [B, num_nodes, 1]
    # activations: 1 if node is an ancestor of any item in the choice set, else -inf
    activations = jnp.max(leaf_ancestor_matrix[x], axis=1)[:, :, None]  # [B, num_nodes, 1]
    utilities = jnp.where(activations == -jnp.inf, -jnp.inf, utilities)
    # sibling_uts[b, i, j] = utility of node i if i is a child of j else -inf
    sibling_uts = jnp.minimum(utilities, inf_adjacency_matrix.T[None, :, :])  # [B, N, N]
    node_probs = jax.nn.log_softmax(sibling_uts, axis=1)
    node_probs = jnp.where(~jnp.isnan(node_probs), node_probs, -jnp.inf)
    node_lp = jnp.max(node_probs, axis=2)  # [B, num_nodes]
    repeated = jnp.broadcast_to(node_lp[:, None, :], (Bn, NUM_ITEMS + 1, NUM_NODES))
    item_probs = jnp.minimum(repeated, leaf_ancestor_matrix[None, :, :])
    item_probs = jnp.where(item_probs == -jnp.inf, 0.0, item_probs)
    item_probs = jnp.sum(item_probs, axis=2)  # [B, num_items + 1]
    obs_probs = jnp.take_along_axis(item_probs, x, axis=1)[:, :, None]  # [B, S, 1]
    mask = jnp.arange(Sn)[None, :] >= x_lengths[:, None]
    obs_probs = jnp.where(mask[:, :, None], -jnp.inf, obs_probs)
    return obs_probs

if __name__ == "__main__":
    import jax
    _d = setup_inputs()
    print(jax.jit(kernel)(*tuple(_d.values())))

</pallas_src>

<mosaic_0001>
#map = affine_map<(d0, d1) -> (0, 0)>
#map1 = affine_map<(d0, d1) -> (0)>
module attributes {stable_mosaic.version = 14 : i64} {
  func.func @_nested_logit_body(%arg0: i32, %arg1: i32, %arg2: memref<20x512xi32, #tpu.memory_space<hbm>>, %arg3: memref<512xi32, #tpu.memory_space<hbm>>, %arg4: memref<274xf32, #tpu.memory_space<hbm>>, %arg5: memref<10240xf32, #tpu.memory_space<hbm>>, %arg6: memref<20x128xi32, #tpu.memory_space<vmem>>, %arg7: memref<16xi32, #tpu.memory_space<vmem>>, %arg8: memref<274xf32, #tpu.memory_space<vmem>>, %arg9: memref<20x16xf32, #tpu.memory_space<vmem>>, %arg10: memref<256x16xi32, #tpu.memory_space<vmem>>, %arg11: memref<16x16xi32, #tpu.memory_space<vmem>>, %arg12: memref<16x16xf32, #tpu.memory_space<vmem>>, %arg13: memref<4x!tpu.dma_semaphore, #tpu.memory_space<semaphore_mem>>) attributes {dimension_semantics = [#tpu.dimension_semantics<core_parallel>, #tpu.dimension_semantics<subcore_parallel>], iteration_bounds = array<i64: 2, 16>, scalar_prefetch = 0 : i64, scratch_operands = 8 : i64, tpu.core_type = #tpu.core_type<sc_vector_subcore>, window_params = [{transform_indices = #map}, {transform_indices = #map1}, {transform_indices = #map1}, {transform_indices = #map1}]} {
    %mul3A = arith.constant 2 : i32
    %mul3A_0 = arith.muli %arg1, %mul3A : i32
    %add3A = arith.addi %mul3A_0, %arg0 : i32
    %mul3A_1 = arith.constant 16 : i32
    %mul3A_2 = arith.muli %add3A, %mul3A_1 : i32
    %jit3A = arith.constant 8 : i32
    %eq3A = arith.constant 0 : i32
    %eq3A_3 = arith.cmpi eq, %jit3A, %eq3A : i32
    %jit3A_4 = arith.constant 1 : i32
    %select_n3A = arith.select %eq3A_3, %jit3A_4, %jit3A : i32
    %rem3A = arith.remsi %add3A, %select_n3A : i32
    %ne3A = arith.constant 0 : i32
    %ne3A_5 = arith.cmpi ne, %rem3A, %ne3A : i32
    %lt3A = arith.constant 0 : i32
    %lt3A_6 = arith.cmpi slt, %rem3A, %lt3A : i32
    %lt3A_7 = arith.constant 0 : i32
    %lt3A_8 = arith.cmpi slt, %select_n3A, %lt3A_7 : i32
    %ne3A_9 = arith.xori %lt3A_6, %lt3A_8 : i1
    %and3A = arith.andi %ne3A_9, %ne3A_5 : i1
    %add3A_10 = arith.addi %rem3A, %select_n3A : i32
    %select_n3A_11 = arith.select %and3A, %add3A_10, %rem3A : i32
    %mul3A_12 = arith.constant 16 : i32
    %mul3A_13 = arith.muli %select_n3A_11, %mul3A_12 : i32
    %jit3A_14 = arith.constant 8 : i32
    %div3A = arith.divsi %add3A, %jit3A_14 : i32
    %sign3A = arith.constant 0 : i32
    %sign3A_15 = arith.cmpi sgt, %add3A, %sign3A : i32
    %sign3A_16 = arith.extui %sign3A_15 : i1 to i32
    %sign3A_17 = arith.constant 0 : i32
    %sign3A_18 = arith.cmpi slt, %add3A, %sign3A_17 : i32
    %sign3A_19 = arith.extui %sign3A_18 : i1 to i32
    %sign3A_20 = arith.subi %sign3A_16, %sign3A_19 : i32
    %sign3A_21 = arith.constant 0 : i32
    %sign3A_22 = arith.cmpi sgt, %jit3A_14, %sign3A_21 : i32
    %sign3A_23 = arith.extui %sign3A_22 : i1 to i32
    %sign3A_24 = arith.constant 0 : i32
    %sign3A_25 = arith.cmpi slt, %jit3A_14, %sign3A_24 : i32
    %sign3A_26 = arith.extui %sign3A_25 : i1 to i32
    %sign3A_27 = arith.subi %sign3A_23, %sign3A_26 : i32
    %ne3A_28 = arith.cmpi ne, %sign3A_20, %sign3A_27 : i32
    %rem3A_29 = arith.remsi %add3A, %jit3A_14 : i32
    %ne3A_30 = arith.constant 0 : i32
    %ne3A_31 = arith.cmpi ne, %rem3A_29, %ne3A_30 : i32
    %and3A_32 = arith.andi %ne3A_28, %ne3A_31 : i1
    %sub3A = arith.constant 1 : i32
    %sub3A_33 = arith.subi %div3A, %sub3A : i32
    %select_n3A_34 = arith.select %and3A_32, %sub3A_33, %div3A : i32
    %mul3A_35 = arith.constant 128 : i32
    %mul3A_36 = arith.muli %select_n3A_34, %mul3A_35 : i32
    %multiple_of3A = tpu.assume_multiple %mul3A_36, 128 : i32
    %dma_start3A = arith.constant 0 : i32
    %dma_start3A_37 = arith.constant 0 : i32
    %dma_start3A_38 = tpu.memref_slice %arg2[%dma_start3A_37, %multiple_of3A] : memref<20x512xi32, #tpu.memory_space<hbm>> -> memref<20x128xi32, #tpu.memory_space<hbm>>
    %dma_start3A_39 = tpu.memref_slice %arg13[%dma_start3A] : memref<4x!tpu.dma_semaphore, #tpu.memory_space<semaphore_mem>> -> memref<1x!tpu.dma_semaphore, #tpu.memory_space<semaphore_mem>>
    %dma_start3A_40 = tpu.memref_squeeze %dma_start3A_39 : memref<1x!tpu.dma_semaphore, #tpu.memory_space<semaphore_mem>> -> memref<!tpu.dma_semaphore, #tpu.memory_space<semaphore_mem>>
    %dma_start3A_41 = arith.constant 0 : i32
    %dma_start3A_42 = tpu.memref_slice %arg2[%dma_start3A_41, %multiple_of3A] : memref<20x512xi32, #tpu.memory_space<hbm>> -> memref<20x128xi32, #tpu.memory_space<hbm>>
    tpu.enqueue_dma source(%dma_start3A_42 : memref<20x128xi32, #tpu.memory_space<hbm>>) target(%arg6 : memref<20x128xi32, #tpu.memory_space<vmem>>) target_semaphore(%dma_start3A_40 : memref<!tpu.dma_semaphore, #tpu.memory_space<semaphore_mem>>)
    %dma_start3A_43 = arith.constant 1 : i32
    %dma_start3A_44 = tpu.memref_slice %arg3[%mul3A_2] : memref<512xi32, #tpu.memory_space<hbm>> -> memref<16xi32, #tpu.memory_space<hbm>>
    %dma_start3A_45 = tpu.memref_slice %arg13[%dma_start3A_43] : memref<4x!tpu.dma_semaphore, #tpu.memory_space<semaphore_mem>> -> memref<1x!tpu.dma_semaphore, #tpu.memory_space<semaphore_mem>>
    %dma_start3A_46 = tpu.memref_squeeze %dma_start3A_45 : memref<1x!tpu.dma_semaphore, #tpu.memory_space<semaphore_mem>> -> memref<!tpu.dma_semaphore, #tpu.memory_space<semaphore_mem>>
    %dma_start3A_47 = tpu.memref_slice %arg3[%mul3A_2] : memref<512xi32, #tpu.memory_space<hbm>> -> memref<16xi32, #tpu.memory_space<hbm>>
    tpu.enqueue_dma source(%dma_start3A_47 : memref<16xi32, #tpu.memory_space<hbm>>) target(%arg7 : memref<16xi32, #tpu.memory_space<vmem>>) target_semaphore(%dma_start3A_46 : memref<!tpu.dma_semaphore, #tpu.memory_space<semaphore_mem>>)
    %dma_start3A_48 = arith.constant 2 : i32
    %dma_start3A_49 = tpu.memref_slice %arg13[%dma_start3A_48] : memref<4x!tpu.dma_semaphore, #tpu.memory_space<semaphore_mem>> -> memref<1x!tpu.dma_semaphore, #tpu.memory_space<semaphore_mem>>
    %dma_start3A_50 = tpu.memref_squeeze %dma_start3A_49 : memref<1x!tpu.dma_semaphore, #tpu.memory_space<semaphore_mem>> -> memref<!tpu.dma_semaphore, #tpu.memory_space<semaphore_mem>>
    tpu.enqueue_dma source(%arg4 : memref<274xf32, #tpu.memory_space<hbm>>) target(%arg8 : memref<274xf32, #tpu.memory_space<vmem>>) target_semaphore(%dma_start3A_50 : memref<!tpu.dma_semaphore, #tpu.memory_space<semaphore_mem>>)
    %dma_wait3A = arith.constant 0 : i32
    %dma_wait3A_51 = arith.constant 0 : i32
    %dma_wait3A_52 = tpu.memref_slice %arg2[%dma_wait3A_51, %multiple_of3A] : memref<20x512xi32, #tpu.memory_space<hbm>> -> memref<20x128xi32, #tpu.memory_space<hbm>>
    %dma_wait3A_53 = tpu.memref_slice %arg13[%dma_wait3A] : memref<4x!tpu.dma_semaphore, #tpu.memory_space<semaphore_mem>> -> memref<1x!tpu.dma_semaphore, #tpu.memory_space<semaphore_mem>>
    %dma_wait3A_54 = tpu.memref_squeeze %dma_wait3A_53 : memref<1x!tpu.dma_semaphore, #tpu.memory_space<semaphore_mem>> -> memref<!tpu.dma_semaphore, #tpu.memory_space<semaphore_mem>>
    %dma_wait3A_55 = arith.constant 0 : i32
    %dma_wait3A_56 = tpu.memref_slice %arg2[%dma_wait3A_55, %multiple_of3A] : memref<20x512xi32, #tpu.memory_space<hbm>> -> memref<20x128xi32, #tpu.memory_space<hbm>>
    tpu.wait_dma2 semaphore(%dma_wait3A_54 : memref<!tpu.dma_semaphore, #tpu.memory_space<semaphore_mem>>) src(%dma_wait3A_56 : memref<20x128xi32, #tpu.memory_space<hbm>>) dst(%arg6 : memref<20x128xi32, #tpu.memory_space<vmem>>)
    %dma_wait3A_57 = arith.constant 1 : i32
    %dma_wait3A_58 = tpu.memref_slice %arg3[%mul3A_2] : memref<512xi32, #tpu.memory_space<hbm>> -> memref<16xi32, #tpu.memory_space<hbm>>
    %dma_wait3A_59 = tpu.memref_slice %arg13[%dma_wait3A_57] : memref<4x!tpu.dma_semaphore, #tpu.memory_space<semaphore_mem>> -> memref<1x!tpu.dma_semaphore, #tpu.memory_space<semaphore_mem>>
    %dma_wait3A_60 = tpu.memref_squeeze %dma_wait3A_59 : memref<1x!tpu.dma_semaphore, #tpu.memory_space<semaphore_mem>> -> memref<!tpu.dma_semaphore, #tpu.memory_space<semaphore_mem>>
    %dma_wait3A_61 = tpu.memref_slice %arg3[%mul3A_2] : memref<512xi32, #tpu.memory_space<hbm>> -> memref<16xi32, #tpu.memory_space<hbm>>
    tpu.wait_dma2 semaphore(%dma_wait3A_60 : memref<!tpu.dma_semaphore, #tpu.memory_space<semaphore_mem>>) src(%dma_wait3A_61 : memref<16xi32, #tpu.memory_space<hbm>>) dst(%arg7 : memref<16xi32, #tpu.memory_space<vmem>>)
    %dma_wait3A_62 = arith.constant 2 : i32
    %dma_wait3A_63 = tpu.memref_slice %arg13[%dma_wait3A_62] : memref<4x!tpu.dma_semaphore, #tpu.memory_space<semaphore_mem>> -> memref<1x!tpu.dma_semaphore, #tpu.memory_space<semaphore_mem>>
    %dma_wait3A_64 = tpu.memref_squeeze %dma_wait3A_63 : memref<1x!tpu.dma_semaphore, #tpu.memory_space<semaphore_mem>> -> memref<!tpu.dma_semaphore, #tpu.memory_space<semaphore_mem>>
    tpu.wait_dma2 semaphore(%dma_wait3A_64 : memref<!tpu.dma_semaphore, #tpu.memory_space<semaphore_mem>>) src(%arg4 : memref<274xf32, #tpu.memory_space<hbm>>) dst(%arg8 : memref<274xf32, #tpu.memory_space<vmem>>)
    %iota3A = tpu.iota {dimensions = array<i32: 0>} : vector<16xi32>
    %get3A = arith.constant 256 : index
    %get3A_65 = tpu.vector_load %arg8[%get3A] {strides = array<i32>} : memref<274xf32, #tpu.memory_space<vmem>>, vector<16xf32>,
    %eq3A_66 = arith.constant 0 : i32
    %eq3A_67 = vector.broadcast %eq3A_66 : i32 to vector<16xi32>
    %eq3A_68 = arith.cmpi eq, %iota3A, %eq3A_67 : vector<16xi32>
    %jit3A_69 = arith.constant 0.000000e+00 : f32
    %broadcast_in_dim3A = vector.broadcast %jit3A_69 : f32 to vector<16xf32>
    %select_n3A_70 = arith.select %eq3A_68, %broadcast_in_dim3A, %get3A_65 : vector<16xi1>, vector<16xf32>
    %swap3A = arith.constant 256 : index
    %swap3A_71 = tpu.vector_load %arg8[%swap3A] {strides = array<i32>} : memref<274xf32, #tpu.memory_space<vmem>>, vector<16xf32>,
    tpu.vector_store %arg8[%swap3A], %select_n3A_70 {strides = array<i32>} : memref<274xf32, #tpu.memory_space<vmem>>, vector<16xf32>,
    %broadcast_in_dim3A_72 = arith.constant 0xFF800000 : f32
    %broadcast_in_dim3A_73 = vector.broadcast %broadcast_in_dim3A_72 : f32 to vector<16xf32>
    %broadcast_in_dim3A_74 = arith.constant 0xFF800000 : f32
    %broadcast_in_dim3A_75 = vector.broadcast %broadcast_in_dim3A_74 : f32 to vector<16xf32>
    %scan3A = arith.constant 0 : i32
    %scan3A_76 = arith.constant 20 : i32
    %scan3A_77 = arith.addi %scan3A, %scan3A_76 : i32
    %scan3A_78 = arith.constant 1 : i32
    %scan3A_79:2 = scf.for %scan3A_625 = %scan3A to %scan3A_77 step %scan3A_78 iter_args(%scan3A_626 = %broadcast_in_dim3A_73, %scan3A_627 = %broadcast_in_dim3A_75) -> (vector<16xf32>, vector<16xf32>)  : i32 {
      %broadcast_in_dim3A_628 = vector.broadcast %scan3A_625 : i32 to vector<16xi32>
      %add3A_629 = vector.broadcast %mul3A_13 : i32 to vector<16xi32>
      %add3A_630 = arith.addi %add3A_629, %iota3A : vector<16xi32>
      %gather3A = tpu.vector_load_idx %arg6[%broadcast_in_dim3A_628, %add3A_630] : memref<20x128xi32, #tpu.memory_space<vmem>>[vector<16xi32>, vector<16xi32>], vector<16xi32>,
      %shift_right_arithmetic3A = arith.constant 4 : i32
      %shift_right_arithmetic3A_631 = vector.broadcast %shift_right_arithmetic3A : i32 to vector<16xi32>
      %shift_right_arithmetic3A_632 = arith.shrsi %gather3A, %shift_right_arithmetic3A_631 : vector<16xi32>
      %broadcast_in_dim3A_633 = vector.broadcast %scan3A_625 : i32 to vector<16xi32>
      tpu.vector_store_idx %arg10[%gather3A, %iota3A], %broadcast_in_dim3A_633 : memref<256x16xi32, #tpu.memory_space<vmem>>[vector<16xi32>, vector<16xi32>], vector<16xi32>,
      tpu.vector_store_idx %arg11[%shift_right_arithmetic3A_632, %iota3A], %broadcast_in_dim3A_633 : memref<16x16xi32, #tpu.memory_space<vmem>>[vector<16xi32>, vector<16xi32>], vector<16xi32>,
      %add3A_634 = arith.constant 17 : i32
      %add3A_635 = vector.broadcast %add3A_634 : i32 to vector<16xi32>
      %add3A_636 = arith.addi %gather3A, %add3A_635 : vector<16xi32>
      %gather3A_637 = tpu.vector_load_idx %arg8[%add3A_636] : memref<274xf32, #tpu.memory_space<vmem>>[vector<16xi32>], vector<16xf32>,
      %add3A_638 = arith.constant 1 : i32
      %add3A_639 = vector.broadcast %add3A_638 : i32 to vector<16xi32>
      %add3A_640 = arith.addi %shift_right_arithmetic3A_632, %add3A_639 : vector<16xi32>
      %gather3A_641 = tpu.vector_load_idx %arg8[%add3A_640] : memref<274xf32, #tpu.memory_space<vmem>>[vector<16xi32>], vector<16xf32>,
      %max3A = arith.maximumf %scan3A_626, %gather3A_637 : vector<16xf32>
      %max3A_642 = arith.maximumf %scan3A_627, %gather3A_641 : vector<16xf32>
      scf.yield %max3A, %max3A_642 : vector<16xf32>, vector<16xf32>
    }
    %scan3A_80 = arith.constant 20 : i32
    %broadcast_in_dim3A_81 = arith.constant 0.000000e+00 : f32
    %broadcast_in_dim3A_82 = vector.broadcast %broadcast_in_dim3A_81 : f32 to vector<16xf32>
    %scan3A_83 = arith.constant 0 : i32
    %scan3A_84 = arith.constant 0 : i32
    %scan3A_85 = arith.constant 16 : i32
    %scan3A_86 = arith.addi %scan3A_84, %scan3A_85 : i32
    %scan3A_87 = arith.constant 1 : i32
    scf.for %scan3A_625 = %scan3A_84 to %scan3A_86 step %scan3A_87  : i32 {
      %swap3A_626 = arith.index_cast %scan3A_625 : i32 to index
      %swap3A_627 = arith.constant 0 : index
      %swap3A_628 = tpu.vector_load %arg12[%swap3A_626, %swap3A_627] {strides = array<i32>} : memref<16x16xf32, #tpu.memory_space<vmem>>, vector<16xf32>,
      tpu.vector_store %arg12[%swap3A_626, %swap3A_627], %broadcast_in_dim3A_82 {strides = array<i32>} : memref<16x16xf32, #tpu.memory_space<vmem>>, vector<16xf32>,
    }
    %scan3A_88 = arith.constant 16 : i32
    %scan3A_89 = arith.constant 0 : i32
    %scan3A_90 = arith.constant 20 : i32
    %scan3A_91 = arith.addi %scan3A_89, %scan3A_90 : i32
    %scan3A_92 = arith.constant 1 : i32
    %scan3A_93 = scf.for %scan3A_625 = %scan3A_89 to %scan3A_91 step %scan3A_92 iter_args(%scan3A_626 = %broadcast_in_dim3A_82) -> (vector<16xf32>)  : i32 {
      %broadcast_in_dim3A_627 = vector.broadcast %scan3A_625 : i32 to vector<16xi32>
      %add3A_628 = vector.broadcast %mul3A_13 : i32 to vector<16xi32>
      %add3A_629 = arith.addi %add3A_628, %iota3A : vector<16xi32>
      %gather3A = tpu.vector_load_idx %arg6[%broadcast_in_dim3A_627, %add3A_629] : memref<20x128xi32, #tpu.memory_space<vmem>>[vector<16xi32>, vector<16xi32>], vector<16xi32>,
      %shift_right_arithmetic3A = arith.constant 4 : i32
      %shift_right_arithmetic3A_630 = vector.broadcast %shift_right_arithmetic3A : i32 to vector<16xi32>
      %shift_right_arithmetic3A_631 = arith.shrsi %gather3A, %shift_right_arithmetic3A_630 : vector<16xi32>
      %add3A_632 = arith.constant 17 : i32
      %add3A_633 = vector.broadcast %add3A_632 : i32 to vector<16xi32>
      %add3A_634 = arith.addi %gather3A, %add3A_633 : vector<16xi32>
      %gather3A_635 = tpu.vector_load_idx %arg8[%add3A_634] : memref<274xf32, #tpu.memory_space<vmem>>[vector<16xi32>], vector<16xf32>,
      %add3A_636 = arith.constant 1 : i32
      %add3A_637 = vector.broadcast %add3A_636 : i32 to vector<16xi32>
      %add3A_638 = arith.addi %shift_right_arithmetic3A_631, %add3A_637 : vector<16xi32>
      %gather3A_639 = tpu.vector_load_idx %arg8[%add3A_638] : memref<274xf32, #tpu.memory_space<vmem>>[vector<16xi32>], vector<16xf32>,
      %gather3A_640 = tpu.vector_load_idx %arg10[%gather3A, %iota3A] : memref<256x16xi32, #tpu.memory_space<vmem>>[vector<16xi32>, vector<16xi32>], vector<16xi32>,
      %eq3A_641 = vector.broadcast %scan3A_625 : i32 to vector<16xi32>
      %eq3A_642 = arith.cmpi eq, %gather3A_640, %eq3A_641 : vector<16xi32>
      %gather3A_643 = tpu.vector_load_idx %arg11[%shift_right_arithmetic3A_631, %iota3A] : memref<16x16xi32, #tpu.memory_space<vmem>>[vector<16xi32>, vector<16xi32>], vector<16xi32>,
      %eq3A_644 = vector.broadcast %scan3A_625 : i32 to vector<16xi32>
      %eq3A_645 = arith.cmpi eq, %gather3A_643, %eq3A_644 : vector<16xi32>
      %sub3A_646 = arith.subf %gather3A_635, %scan3A_79#0 : vector<16xf32>
      %exp3A = math.exp %sub3A_646 : vector<16xf32>
      %jit3A_647 = arith.constant 0.000000e+00 : f32
      %broadcast_in_dim3A_648 = vector.broadcast %jit3A_647 : f32 to vector<16xf32>
      %select_n3A_649 = arith.select %eq3A_642, %exp3A, %broadcast_in_dim3A_648 : vector<16xi1>, vector<16xf32>
      tpu.vector_store_idx %arg12[%shift_right_arithmetic3A_631, %iota3A], %select_n3A_649 {add = true} : memref<16x16xf32, #tpu.memory_space<vmem>>[vector<16xi32>, vector<16xi32>], vector<16xf32>,
      %sub3A_650 = arith.subf %gather3A_639, %scan3A_79#1 : vector<16xf32>
      %exp3A_651 = math.exp %sub3A_650 : vector<16xf32>
      %jit3A_652 = arith.constant 0.000000e+00 : f32
      %broadcast_in_dim3A_653 = vector.broadcast %jit3A_652 : f32 to vector<16xf32>
      %select_n3A_654 = arith.select %eq3A_645, %exp3A_651, %broadcast_in_dim3A_653 : vector<16xi1>, vector<16xf32>
      %add3A_655 = arith.addf %scan3A_626, %select_n3A_654 : vector<16xf32>
      scf.yield %add3A_655 : vector<16xf32>
    }
    %scan3A_94 = arith.constant 20 : i32
    %add3A_95 = arith.addf %scan3A_79#0, %scan3A_79#1 : vector<16xf32>
    %get3A_96 = arith.constant 0 : index
    %get3A_97 = tpu.vector_load %arg7[%get3A_96] {strides = array<i32>} : memref<16xi32, #tpu.memory_space<vmem>>, vector<16xi32>,
    %scan3A_98 = arith.constant 0 : i32
    %scan3A_99 = arith.constant 0xFF800000 : f32
    %scan3A_100 = arith.constant 0 : i32
    %scan3A_101 = arith.constant 20 : i32
    %scan3A_102 = arith.addi %scan3A_100, %scan3A_101 : i32
    %scan3A_103 = arith.constant 1 : i32
    scf.for %scan3A_625 = %scan3A_100 to %scan3A_102 step %scan3A_103  : i32 {
      %broadcast_in_dim3A_626 = vector.broadcast %scan3A_625 : i32 to vector<16xi32>
      %add3A_627 = vector.broadcast %mul3A_13 : i32 to vector<16xi32>
      %add3A_628 = arith.addi %add3A_627, %iota3A : vector<16xi32>
      %gather3A = tpu.vector_load_idx %arg6[%broadcast_in_dim3A_626, %add3A_628] : memref<20x128xi32, #tpu.memory_space<vmem>>[vector<16xi32>, vector<16xi32>], vector<16xi32>,
      %shift_right_arithmetic3A = arith.constant 4 : i32
      %shift_right_arithmetic3A_629 = vector.broadcast %shift_right_arithmetic3A : i32 to vector<16xi32>
      %shift_right_arithmetic3A_630 = arith.shrsi %gather3A, %shift_right_arithmetic3A_629 : vector<16xi32>
      %add3A_631 = arith.constant 17 : i32
      %add3A_632 = vector.broadcast %add3A_631 : i32 to vector<16xi32>
      %add3A_633 = arith.addi %gather3A, %add3A_632 : vector<16xi32>
      %gather3A_634 = tpu.vector_load_idx %arg8[%add3A_633] : memref<274xf32, #tpu.memory_space<vmem>>[vector<16xi32>], vector<16xf32>,
      %add3A_635 = arith.constant 1 : i32
      %add3A_636 = vector.broadcast %add3A_635 : i32 to vector<16xi32>
      %add3A_637 = arith.addi %shift_right_arithmetic3A_630, %add3A_636 : vector<16xi32>
      %gather3A_638 = tpu.vector_load_idx %arg8[%add3A_637] : memref<274xf32, #tpu.memory_space<vmem>>[vector<16xi32>], vector<16xf32>,
      %gather3A_639 = tpu.vector_load_idx %arg12[%shift_right_arithmetic3A_630, %iota3A] : memref<16x16xf32, #tpu.memory_space<vmem>>[vector<16xi32>, vector<16xi32>], vector<16xf32>,
      %add3A_640 = arith.addf %gather3A_634, %gather3A_638 : vector<16xf32>
      %sub3A_641 = arith.subf %add3A_640, %add3A_95 : vector<16xf32>
      %mul3A_642 = arith.mulf %gather3A_639, %scan3A_93 : vector<16xf32>
      %bitcast_convert_type3A = tpu.bitcast %mul3A_642 : vector<16xf32> -> vector<16xi32>
      %convert_element_type3A = arith.sitofp %bitcast_convert_type3A : vector<16xi32> to vector<16xf32>
      %mul3A_643 = arith.constant 8.26295832E-8 : f32
      %mul3A_644 = vector.broadcast %mul3A_643 : f32 to vector<16xf32>
      %mul3A_645 = arith.mulf %convert_element_type3A, %mul3A_644 : vector<16xf32>
      %sub3A_646 = arith.constant 87.9899749 : f32
      %sub3A_647 = vector.broadcast %sub3A_646 : f32 to vector<16xf32>
      %sub3A_648 = arith.subf %mul3A_645, %sub3A_647 : vector<16xf32>
      %neg3A = arith.constant 0.000000e+00 : f32
      %neg3A_649 = vector.broadcast %neg3A : f32 to vector<16xf32>
      %neg3A_650 = arith.subf %neg3A_649, %sub3A_648 : vector<16xf32>
      %exp3A = math.exp %neg3A_650 : vector<16xf32>
      %mul3A_651 = arith.mulf %mul3A_642, %exp3A : vector<16xf32>
      %add3A_652 = arith.addf %sub3A_648, %mul3A_651 : vector<16xf32>
      %sub3A_653 = arith.constant 1.000000e+00 : f32
      %sub3A_654 = vector.broadcast %sub3A_653 : f32 to vector<16xf32>
      %sub3A_655 = arith.subf %add3A_652, %sub3A_654 : vector<16xf32>
      %neg3A_656 = arith.constant 0.000000e+00 : f32
      %neg3A_657 = vector.broadcast %neg3A_656 : f32 to vector<16xf32>
      %neg3A_658 = arith.subf %neg3A_657, %sub3A_655 : vector<16xf32>
      %exp3A_659 = math.exp %neg3A_658 : vector<16xf32>
      %mul3A_660 = arith.mulf %mul3A_642, %exp3A_659 : vector<16xf32>
      %add3A_661 = arith.addf %sub3A_655, %mul3A_660 : vector<16xf32>
      %sub3A_662 = arith.constant 1.000000e+00 : f32
      %sub3A_663 = vector.broadcast %sub3A_662 : f32 to vector<16xf32>
      %sub3A_664 = arith.subf %add3A_661, %sub3A_663 : vector<16xf32>
      %sub3A_665 = arith.subf %sub3A_641, %sub3A_664 : vector<16xf32>
      %gt3A = vector.broadcast %scan3A_625 : i32 to vector<16xi32>
      %gt3A_666 = arith.cmpi sgt, %get3A_97, %gt3A : vector<16xi32>
      %broadcast_in_dim3A_667 = vector.broadcast %scan3A_99 : f32 to vector<16xf32>
      %select_n3A_668 = arith.select %gt3A_666, %sub3A_665, %broadcast_in_dim3A_667 : vector<16xi1>, vector<16xf32>
      %broadcast_in_dim3A_669 = vector.broadcast %scan3A_625 : i32 to vector<16xi32>
      tpu.vector_store_idx %arg9[%broadcast_in_dim3A_669, %iota3A], %select_n3A_668 : memref<20x16xf32, #tpu.memory_space<vmem>>[vector<16xi32>, vector<16xi32>], vector<16xf32>,
    }
    %scan3A_104 = arith.constant 20 : i32
    %add3A_105 = arith.constant 0 : i32
    %add3A_106 = arith.addi %add3A_105, %mul3A_2 : i32
    %dma_start3A_107 = arith.constant 0 : i32
    %dma_start3A_108 = arith.constant 3 : i32
    %dma_start3A_109 = arith.constant 0 : i32
    %dma_start3A_110 = tpu.memref_slice %arg9[%dma_start3A_107, %dma_start3A_109] : memref<20x16xf32, #tpu.memory_space<vmem>> -> memref<1x16xf32, #tpu.memory_space<vmem>>
    %dma_start3A_111 = tpu.memref_squeeze %dma_start3A_110 : memref<1x16xf32, #tpu.memory_space<vmem>> -> memref<16xf32, #tpu.memory_space<vmem>>
    %dma_start3A_112 = tpu.memref_slice %arg5[%add3A_106] : memref<10240xf32, #tpu.memory_space<hbm>> -> memref<16xf32, #tpu.memory_space<hbm>>
    %dma_start3A_113 = tpu.memref_slice %arg13[%dma_start3A_108] : memref<4x!tpu.dma_semaphore, #tpu.memory_space<semaphore_mem>> -> memref<1x!tpu.dma_semaphore, #tpu.memory_space<semaphore_mem>>
    %dma_start3A_114 = tpu.memref_squeeze %dma_start3A_113 : memref<1x!tpu.dma_semaphore, #tpu.memory_space<semaphore_mem>> -> memref<!tpu.dma_semaphore, #tpu.memory_space<semaphore_mem>>
    %dma_start3A_115 = tpu.memref_slice %arg5[%add3A_106] : memref<10240xf32, #tpu.memory_space<hbm>> -> memref<16xf32, #tpu.memory_space<hbm>>
    %dma_start3A_116 = arith.constant 0 : i32
    %dma_start3A_117 = tpu.memref_slice %arg9[%dma_start3A_107, %dma_start3A_116] : memref<20x16xf32, #tpu.memory_space<vmem>> -> memref<1x16xf32, #tpu.memory_space<vmem>>
    %dma_start3A_118 = tpu.memref_squeeze %dma_start3A_117 : memref<1x16xf32, #tpu.memory_space<vmem>> -> memref<16xf32, #tpu.memory_space<vmem>>
    tpu.enqueue_dma source(%dma_start3A_118 : memref<16xf32, #tpu.memory_space<vmem>>) target(%dma_start3A_115 : memref<16xf32, #tpu.memory_space<hbm>>) target_semaphore(%dma_start3A_114 : memref<!tpu.dma_semaphore, #tpu.memory_space<semaphore_mem>>)
    %add3A_119 = arith.constant 512 : i32
    %add3A_120 = arith.addi %add3A_119, %mul3A_2 : i32
    %dma_start3A_121 = arith.constant 1 : i32
    %dma_start3A_122 = arith.constant 3 : i32
    %dma_start3A_123 = arith.constant 0 : i32
    %dma_start3A_124 = tpu.memref_slice %arg9[%dma_start3A_121, %dma_start3A_123] : memref<20x16xf32, #tpu.memory_space<vmem>> -> memref<1x16xf32, #tpu.memory_space<vmem>>
    %dma_start3A_125 = tpu.memref_squeeze %dma_start3A_124 : memref<1x16xf32, #tpu.memory_space<vmem>> -> memref<16xf32, #tpu.memory_space<vmem>>
    %dma_start3A_126 = tpu.memref_slice %arg5[%add3A_120] : memref<10240xf32, #tpu.memory_space<hbm>> -> memref<16xf32, #tpu.memory_space<hbm>>
    %dma_start3A_127 = tpu.memref_slice %arg13[%dma_start3A_122] : memref<4x!tpu.dma_semaphore, #tpu.memory_space<semaphore_mem>> -> memref<1x!tpu.dma_semaphore, #tpu.memory_space<semaphore_mem>>
    %dma_start3A_128 = tpu.memref_squeeze %dma_start3A_127 : memref<1x!tpu.dma_semaphore, #tpu.memory_space<semaphore_mem>> -> memref<!tpu.dma_semaphore, #tpu.memory_space<semaphore_mem>>
    %dma_start3A_129 = tpu.memref_slice %arg5[%add3A_120] : memref<10240xf32, #tpu.memory_space<hbm>> -> memref<16xf32, #tpu.memory_space<hbm>>
    %dma_start3A_130 = arith.constant 0 : i32
    %dma_start3A_131 = tpu.memref_slice %arg9[%dma_start3A_121, %dma_start3A_130] : memref<20x16xf32, #tpu.memory_space<vmem>> -> memref<1x16xf32, #tpu.memory_space<vmem>>
    %dma_start3A_132 = tpu.memref_squeeze %dma_start3A_131 : memref<1x16xf32, #tpu.memory_space<vmem>> -> memref<16xf32, #tpu.memory_space<vmem>>
    tpu.enqueue_dma source(%dma_start3A_132 : memref<16xf32, #tpu.memory_space<vmem>>) target(%dma_start3A_129 : memref<16xf32, #tpu.memory_space<hbm>>) target_semaphore(%dma_start3A_128 : memref<!tpu.dma_semaphore, #tpu.memory_space<semaphore_mem>>)
    %add3A_133 = arith.constant 1024 : i32
    %add3A_134 = arith.addi %add3A_133, %mul3A_2 : i32
    %dma_start3A_135 = arith.constant 2 : i32
    %dma_start3A_136 = arith.constant 3 : i32
    %dma_start3A_137 = arith.constant 0 : i32
    %dma_start3A_138 = tpu.memref_slice %arg9[%dma_start3A_135, %dma_start3A_137] : memref<20x16xf32, #tpu.memory_space<vmem>> -> memref<1x16xf32, #tpu.memory_space<vmem>>
    %dma_start3A_139 = tpu.memref_squeeze %dma_start3A_138 : memref<1x16xf32, #tpu.memory_space<vmem>> -> memref<16xf32, #tpu.memory_space<vmem>>
    %dma_start3A_140 = tpu.memref_slice %arg5[%add3A_134] : memref<10240xf32, #tpu.memory_space<hbm>> -> memref<16xf32, #tpu.memory_space<hbm>>
    %dma_start3A_141 = tpu.memref_slice %arg13[%dma_start3A_136] : memref<4x!tpu.dma_semaphore, #tpu.memory_space<semaphore_mem>> -> memref<1x!tpu.dma_semaphore, #tpu.memory_space<semaphore_mem>>
    %dma_start3A_142 = tpu.memref_squeeze %dma_start3A_141 : memref<1x!tpu.dma_semaphore, #tpu.memory_space<semaphore_mem>> -> memref<!tpu.dma_semaphore, #tpu.memory_space<semaphore_mem>>
    %dma_start3A_143 = tpu.memref_slice %arg5[%add3A_134] : memref<10240xf32, #tpu.memory_space<hbm>> -> memref<16xf32, #tpu.memory_space<hbm>>
    %dma_start3A_144 = arith.constant 0 : i32
    %dma_start3A_145 = tpu.memref_slice %arg9[%dma_start3A_135, %dma_start3A_144] : memref<20x16xf32, #tpu.memory_space<vmem>> -> memref<1x16xf32, #tpu.memory_space<vmem>>
    %dma_start3A_146 = tpu.memref_squeeze %dma_start3A_145 : memref<1x16xf32, #tpu.memory_space<vmem>> -> memref<16xf32, #tpu.memory_space<vmem>>
    tpu.enqueue_dma source(%dma_start3A_146 : memref<16xf32, #tpu.memory_space<vmem>>) target(%dma_start3A_143 : memref<16xf32, #tpu.memory_space<hbm>>) target_semaphore(%dma_start3A_142 : memref<!tpu.dma_semaphore, #tpu.memory_space<semaphore_mem>>)
    %add3A_147 = arith.constant 1536 : i32
    %add3A_148 = arith.addi %add3A_147, %mul3A_2 : i32
    %dma_start3A_149 = arith.constant 3 : i32
    %dma_start3A_150 = arith.constant 3 : i32
    %dma_start3A_151 = arith.constant 0 : i32
    %dma_start3A_152 = tpu.memref_slice %arg9[%dma_start3A_149, %dma_start3A_151] : memref<20x16xf32, #tpu.memory_space<vmem>> -> memref<1x16xf32, #tpu.memory_space<vmem>>
    %dma_start3A_153 = tpu.memref_squeeze %dma_start3A_152 : memref<1x16xf32, #tpu.memory_space<vmem>> -> memref<16xf32, #tpu.memory_space<vmem>>
    %dma_start3A_154 = tpu.memref_slice %arg5[%add3A_148] : memref<10240xf32, #tpu.memory_space<hbm>> -> memref<16xf32, #tpu.memory_space<hbm>>
    %dma_start3A_155 = tpu.memref_slice %arg13[%dma_start3A_150] : memref<4x!tpu.dma_semaphore, #tpu.memory_space<semaphore_mem>> -> memref<1x!tpu.dma_semaphore, #tpu.memory_space<semaphore_mem>>
    %dma_start3A_156 = tpu.memref_squeeze %dma_start3A_155 : memref<1x!tpu.dma_semaphore, #tpu.memory_space<semaphore_mem>> -> memref<!tpu.dma_semaphore, #tpu.memory_space<semaphore_mem>>
    %dma_start3A_157 = tpu.memref_slice %arg5[%add3A_148] : memref<10240xf32, #tpu.memory_space<hbm>> -> memref<16xf32, #tpu.memory_space<hbm>>
    %dma_start3A_158 = arith.constant 0 : i32
    %dma_start3A_159 = tpu.memref_slice %arg9[%dma_start3A_149, %dma_start3A_158] : memref<20x16xf32, #tpu.memory_space<vmem>> -> memref<1x16xf32, #tpu.memory_space<vmem>>
    %dma_start3A_160 = tpu.memref_squeeze %dma_start3A_159 : memref<1x16xf32, #tpu.memory_space<vmem>> -> memref<16xf32, #tpu.memory_space<vmem>>
    tpu.enqueue_dma source(%dma_start3A_160 : memref<16xf32, #tpu.memory_space<vmem>>) target(%dma_start3A_157 : memref<16xf32, #tpu.memory_space<hbm>>) target_semaphore(%dma_start3A_156 : memref<!tpu.dma_semaphore, #tpu.memory_space<semaphore_mem>>)
    %add3A_161 = arith.constant 2048 : i32
    %add3A_162 = arith.addi %add3A_161, %mul3A_2 : i32
    %dma_start3A_163 = arith.constant 4 : i32
    %dma_start3A_164 = arith.constant 3 : i32
    %dma_start3A_165 = arith.constant 0 : i32
    %dma_start3A_166 = tpu.memref_slice %arg9[%dma_start3A_163, %dma_start3A_165] : memref<20x16xf32, #tpu.memory_space<vmem>> -> memref<1x16xf32, #tpu.memory_space<vmem>>
    %dma_start3A_167 = tpu.memref_squeeze %dma_start3A_166 : memref<1x16xf32, #tpu.memory_space<vmem>> -> memref<16xf32, #tpu.memory_space<vmem>>
    %dma_start3A_168 = tpu.memref_slice %arg5[%add3A_162] : memref<10240xf32, #tpu.memory_space<hbm>> -> memref<16xf32, #tpu.memory_space<hbm>>
    %dma_start3A_169 = tpu.memref_slice %arg13[%dma_start3A_164] : memref<4x!tpu.dma_semaphore, #tpu.memory_space<semaphore_mem>> -> memref<1x!tpu.dma_semaphore, #tpu.memory_space<semaphore_mem>>
    %dma_start3A_170 = tpu.memref_squeeze %dma_start3A_169 : memref<1x!tpu.dma_semaphore, #tpu.memory_space<semaphore_mem>> -> memref<!tpu.dma_semaphore, #tpu.memory_space<semaphore_mem>>
    %dma_start3A_171 = tpu.memref_slice %arg5[%add3A_162] : memref<10240xf32, #tpu.memory_space<hbm>> -> memref<16xf32, #tpu.memory_space<hbm>>
    %dma_start3A_172 = arith.constant 0 : i32
    %dma_start3A_173 = tpu.memref_slice %arg9[%dma_start3A_163, %dma_start3A_172] : memref<20x16xf32, #tpu.memory_space<vmem>> -> memref<1x16xf32, #tpu.memory_space<vmem>>
    %dma_start3A_174 = tpu.memref_squeeze %dma_start3A_173 : memref<1x16xf32, #tpu.memory_space<vmem>> -> memref<16xf32, #tpu.memory_space<vmem>>
    tpu.enqueue_dma source(%dma_start3A_174 : memref<16xf32, #tpu.memory_space<vmem>>) target(%dma_start3A_171 : memref<16xf32, #tpu.memory_space<hbm>>) target_semaphore(%dma_start3A_170 : memref<!tpu.dma_semaphore, #tpu.memory_space<semaphore_mem>>)
    %add3A_175 = arith.constant 2560 : i32
    %add3A_176 = arith.addi %add3A_175, %mul3A_2 : i32
    %dma_start3A_177 = arith.constant 5 : i32
    %dma_start3A_178 = arith.constant 3 : i32
    %dma_start3A_179 = arith.constant 0 : i32
    %dma_start3A_180 = tpu.memref_slice %arg9[%dma_start3A_177, %dma_start3A_179] : memref<20x16xf32, #tpu.memory_space<vmem>> -> memref<1x16xf32, #tpu.memory_space<vmem>>
    %dma_start3A_181 = tpu.memref_squeeze %dma_start3A_180 : memref<1x16xf32, #tpu.memory_space<vmem>> -> memref<16xf32, #tpu.memory_space<vmem>>
    %dma_start3A_182 = tpu.memref_slice %arg5[%add3A_176] : memref<10240xf32, #tpu.memory_space<hbm>> -> memref<16xf32, #tpu.memory_space<hbm>>
    %dma_start3A_183 = tpu.memref_slice %arg13[%dma_start3A_178] : memref<4x!tpu.dma_semaphore, #tpu.memory_space<semaphore_mem>> -> memref<1x!tpu.dma_semaphore, #tpu.memory_space<semaphore_mem>>
    %dma_start3A_184 = tpu.memref_squeeze %dma_start3A_183 : memref<1x!tpu.dma_semaphore, #tpu.memory_space<semaphore_mem>> -> memref<!tpu.dma_semaphore, #tpu.memory_space<semaphore_mem>>
    %dma_start3A_185 = tpu.memref_slice %arg5[%add3A_176] : memref<10240xf32, #tpu.memory_space<hbm>> -> memref<16xf32, #tpu.memory_space<hbm>>
    %dma_start3A_186 = arith.constant 0 : i32
    %dma_start3A_187 = tpu.memref_slice %arg9[%dma_start3A_177, %dma_start3A_186] : memref<20x16xf32, #tpu.memory_space<vmem>> -> memref<1x16xf32, #tpu.memory_space<vmem>>
    %dma_start3A_188 = tpu.memref_squeeze %dma_start3A_187 : memref<1x16xf32, #tpu.memory_space<vmem>> -> memref<16xf32, #tpu.memory_space<vmem>>
    tpu.enqueue_dma source(%dma_start3A_188 : memref<16xf32, #tpu.memory_space<vmem>>) target(%dma_start3A_185 : memref<16xf32, #tpu.memory_space<hbm>>) target_semaphore(%dma_start3A_184 : memref<!tpu.dma_semaphore, #tpu.memory_space<semaphore_mem>>)
    %add3A_189 = arith.constant 3072 : i32
    %add3A_190 = arith.addi %add3A_189, %mul3A_2 : i32
    %dma_start3A_191 = arith.constant 6 : i32
    %dma_start3A_192 = arith.constant 3 : i32
    %dma_start3A_193 = arith.constant 0 : i32
    %dma_start3A_194 = tpu.memref_slice %arg9[%dma_start3A_191, %dma_start3A_193] : memref<20x16xf32, #tpu.memory_space<vmem>> -> memref<1x16xf32, #tpu.memory_space<vmem>>
    %dma_start3A_195 = tpu.memref_squeeze %dma_start3A_194 : memref<1x16xf32, #tpu.memory_space<vmem>> -> memref<16xf32, #tpu.memory_space<vmem>>
    %dma_start3A_196 = tpu.memref_slice %arg5[%add3A_190] : memref<10240xf32, #tpu.memory_space<hbm>> -> memref<16xf32, #tpu.memory_space<hbm>>
    %dma_start3A_197 = tpu.memref_slice %arg13[%dma_start3A_192] : memref<4x!tpu.dma_semaphore, #tpu.memory_space<semaphore_mem>> -> memref<1x!tpu.dma_semaphore, #tpu.memory_space<semaphore_mem>>
    %dma_start3A_198 = tpu.memref_squeeze %dma_start3A_197 : memref<1x!tpu.dma_semaphore, #tpu.memory_space<semaphore_mem>> -> memref<!tpu.dma_semaphore, #tpu.memory_space<semaphore_mem>>
    %dma_start3A_199 = tpu.memref_slice %arg5[%add3A_190] : memref<10240xf32, #tpu.memory_space<hbm>> -> memref<16xf32, #tpu.memory_space<hbm>>
    %dma_start3A_200 = arith.constant 0 : i32
    %dma_start3A_201 = tpu.memref_slice %arg9[%dma_start3A_191, %dma_start3A_200] : memref<20x16xf32, #tpu.memory_space<vmem>> -> memref<1x16xf32, #tpu.memory_space<vmem>>
    %dma_start3A_202 = tpu.memref_squeeze %dma_start3A_201 : memref<1x16xf32, #tpu.memory_space<vmem>> -> memref<16xf32, #tpu.memory_space<vmem>>
    tpu.enqueue_dma source(%dma_start3A_202 : memref<16xf32, #tpu.memory_space<vmem>>) target(%dma_start3A_199 : memref<16xf32, #tpu.memory_space<hbm>>) target_semaphore(%dma_start3A_198 : memref<!tpu.dma_semaphore, #tpu.memory_space<semaphore_mem>>)
    %add3A_203 = arith.constant 3584 : i32
    %add3A_204 = arith.addi %add3A_203, %mul3A_2 : i32
    %dma_start3A_205 = arith.constant 7 : i32
    %dma_start3A_206 = arith.constant 3 : i32
    %dma_start3A_207 = arith.constant 0 : i32
    %dma_start3A_208 = tpu.memref_slice %arg9[%dma_start3A_205, %dma_start3A_207] : memref<20x16xf32, #tpu.memory_space<vmem>> -> memref<1x16xf32, #tpu.memory_space<vmem>>
    %dma_start3A_209 = tpu.memref_squeeze %dma_start3A_208 : memref<1x16xf32, #tpu.memory_space<vmem>> -> memref<16xf32, #tpu.memory_space<vmem>>
    %dma_start3A_210 = tpu.memref_slice %arg5[%add3A_204] : memref<10240xf32, #tpu.memory_space<hbm>> -> memref<16xf32, #tpu.memory_space<hbm>>
    %dma_start3A_211 = tpu.memref_slice %arg13[%dma_start3A_206] : memref<4x!tpu.dma_semaphore, #tpu.memory_space<semaphore_mem>> -> memref<1x!tpu.dma_semaphore, #tpu.memory_space<semaphore_mem>>
    %dma_start3A_212 = tpu.memref_squeeze %dma_start3A_211 : memref<1x!tpu.dma_semaphore, #tpu.memory_space<semaphore_mem>> -> memref<!tpu.dma_semaphore, #tpu.memory_space<semaphore_mem>>
    %dma_start3A_213 = tpu.memref_slice %arg5[%add3A_204] : memref<10240xf32, #tpu.memory_space<hbm>> -> memref<16xf32, #tpu.memory_space<hbm>>
    %dma_start3A_214 = arith.constant 0 : i32
    %dma_start3A_215 = tpu.memref_slice %arg9[%dma_start3A_205, %dma_start3A_214] : memref<20x16xf32, #tpu.memory_space<vmem>> -> memref<1x16xf32, #tpu.memory_space<vmem>>
    %dma_start3A_216 = tpu.memref_squeeze %dma_start3A_215 : memref<1x16xf32, #tpu.memory_space<vmem>> -> memref<16xf32, #tpu.memory_space<vmem>>
    tpu.enqueue_dma source(%dma_start3A_216 : memref<16xf32, #tpu.memory_space<vmem>>) target(%dma_start3A_213 : memref<16xf32, #tpu.memory_space<hbm>>) target_semaphore(%dma_start3A_212 : memref<!tpu.dma_semaphore, #tpu.memory_space<semaphore_mem>>)
    %add3A_217 = arith.constant 4096 : i32
    %add3A_218 = arith.addi %add3A_217, %mul3A_2 : i32
    %dma_start3A_219 = arith.constant 8 : i32
    %dma_start3A_220 = arith.constant 3 : i32
    %dma_start3A_221 = arith.constant 0 : i32
    %dma_start3A_222 = tpu.memref_slice %arg9[%dma_start3A_219, %dma_start3A_221] : memref<20x16xf32, #tpu.memory_space<vmem>> -> memref<1x16xf32, #tpu.memory_space<vmem>>
    %dma_start3A_223 = tpu.memref_squeeze %dma_start3A_222 : memref<1x16xf32, #tpu.memory_space<vmem>> -> memref<16xf32, #tpu.memory_space<vmem>>
    %dma_start3A_224 = tpu.memref_slice %arg5[%add3A_218] : memref<10240xf32, #tpu.memory_space<hbm>> -> memref<16xf32, #tpu.memory_space<hbm>>
    %dma_start3A_225 = tpu.memref_slice %arg13[%dma_start3A_220] : memref<4x!tpu.dma_semaphore, #tpu.memory_space<semaphore_mem>> -> memref<1x!tpu.dma_semaphore, #tpu.memory_space<semaphore_mem>>
    %dma_start3A_226 = tpu.memref_squeeze %dma_start3A_225 : memref<1x!tpu.dma_semaphore, #tpu.memory_space<semaphore_mem>> -> memref<!tpu.dma_semaphore, #tpu.memory_space<semaphore_mem>>
    %dma_start3A_227 = tpu.memref_slice %arg5[%add3A_218] : memref<10240xf32, #tpu.memory_space<hbm>> -> memref<16xf32, #tpu.memory_space<hbm>>
    %dma_start3A_228 = arith.constant 0 : i32
    %dma_start3A_229 = tpu.memref_slice %arg9[%dma_start3A_219, %dma_start3A_228] : memref<20x16xf32, #tpu.memory_space<vmem>> -> memref<1x16xf32, #tpu.memory_space<vmem>>
    %dma_start3A_230 = tpu.memref_squeeze %dma_start3A_229 : memref<1x16xf32, #tpu.memory_space<vmem>> -> memref<16xf32, #tpu.memory_space<vmem>>
    tpu.enqueue_dma source(%dma_start3A_230 : memref<16xf32, #tpu.memory_space<vmem>>) target(%dma_start3A_227 : memref<16xf32, #tpu.memory_space<hbm>>) target_semaphore(%dma_start3A_226 : memref<!tpu.dma_semaphore, #tpu.memory_space<semaphore_mem>>)
    %add3A_231 = arith.constant 4608 : i32
    %add3A_232 = arith.addi %add3A_231, %mul3A_2 : i32
    %dma_start3A_233 = arith.constant 9 : i32
    %dma_start3A_234 = arith.constant 3 : i32
    %dma_start3A_235 = arith.constant 0 : i32
    %dma_start3A_236 = tpu.memref_slice %arg9[%dma_start3A_233, %dma_start3A_235] : memref<20x16xf32, #tpu.memory_space<vmem>> -> memref<1x16xf32, #tpu.memory_space<vmem>>
    %dma_start3A_237 = tpu.memref_squeeze %dma_start3A_236 : memref<1x16xf32, #tpu.memory_space<vmem>> -> memref<16xf32, #tpu.memory_space<vmem>>
    %dma_start3A_238 = tpu.memref_slice %arg5[%add3A_232] : memref<10240xf32, #tpu.memory_space<hbm>> -> memref<16xf32, #tpu.memory_space<hbm>>
    %dma_start3A_239 = tpu.memref_slice %arg13[%dma_start3A_234] : memref<4x!tpu.dma_semaphore, #tpu.memory_space<semaphore_mem>> -> memref<1x!tpu.dma_semaphore, #tpu.memory_space<semaphore_mem>>
    %dma_start3A_240 = tpu.memref_squeeze %dma_start3A_239 : memref<1x!tpu.dma_semaphore, #tpu.memory_space<semaphore_mem>> -> memref<!tpu.dma_semaphore, #tpu.memory_space<semaphore_mem>>
    %dma_start3A_241 = tpu.memref_slice %arg5[%add3A_232] : memref<10240xf32, #tpu.memory_space<hbm>> -> memref<16xf32, #tpu.memory_space<hbm>>
    %dma_start3A_242 = arith.constant 0 : i32
    %dma_start3A_243 = tpu.memref_slice %arg9[%dma_start3A_233, %dma_start3A_242] : memref<20x16xf32, #tpu.memory_space<vmem>> -> memref<1x16xf32, #tpu.memory_space<vmem>>
    %dma_start3A_244 = tpu.memref_squeeze %dma_start3A_243 : memref<1x16xf32, #tpu.memory_space<vmem>> -> memref<16xf32, #tpu.memory_space<vmem>>
    tpu.enqueue_dma source(%dma_start3A_244 : memref<16xf32, #tpu.memory_space<vmem>>) target(%dma_start3A_241 : memref<16xf32, #tpu.memory_space<hbm>>) target_semaphore(%dma_start3A_240 : memref<!tpu.dma_semaphore, #tpu.memory_space<semaphore_mem>>)
    %add3A_245 = arith.constant 5120 : i32
    %add3A_246 = arith.addi %add3A_245, %mul3A_2 : i32
    %dma_start3A_247 = arith.constant 10 : i32
    %dma_start3A_248 = arith.constant 3 : i32
    %dma_start3A_249 = arith.constant 0 : i32
    %dma_start3A_250 = tpu.memref_slice %arg9[%dma_start3A_247, %dma_start3A_249] : memref<20x16xf32, #tpu.memory_space<vmem>> -> memref<1x16xf32, #tpu.memory_space<vmem>>
    %dma_start3A_251 = tpu.memref_squeeze %dma_start3A_250 : memref<1x16xf32, #tpu.memory_space<vmem>> -> memref<16xf32, #tpu.memory_space<vmem>>
    %dma_start3A_252 = tpu.memref_slice %arg5[%add3A_246] : memref<10240xf32, #tpu.memory_space<hbm>> -> memref<16xf32, #tpu.memory_space<hbm>>
    %dma_start3A_253 = tpu.memref_slice %arg13[%dma_start3A_248] : memref<4x!tpu.dma_semaphore, #tpu.memory_space<semaphore_mem>> -> memref<1x!tpu.dma_semaphore, #tpu.memory_space<semaphore_mem>>
    %dma_start3A_254 = tpu.memref_squeeze %dma_start3A_253 : memref<1x!tpu.dma_semaphore, #tpu.memory_space<semaphore_mem>> -> memref<!tpu.dma_semaphore, #tpu.memory_space<semaphore_mem>>
    %dma_start3A_255 = tpu.memref_slice %arg5[%add3A_246] : memref<10240xf32, #tpu.memory_space<hbm>> -> memref<16xf32, #tpu.memory_space<hbm>>
    %dma_start3A_256 = arith.constant 0 : i32
    %dma_start3A_257 = tpu.memref_slice %arg9[%dma_start3A_247, %dma_start3A_256] : memref<20x16xf32, #tpu.memory_space<vmem>> -> memref<1x16xf32, #tpu.memory_space<vmem>>
    %dma_start3A_258 = tpu.memref_squeeze %dma_start3A_257 : memref<1x16xf32, #tpu.memory_space<vmem>> -> memref<16xf32, #tpu.memory_space<vmem>>
    tpu.enqueue_dma source(%dma_start3A_258 : memref<16xf32, #tpu.memory_space<vmem>>) target(%dma_start3A_255 : memref<16xf32, #tpu.memory_space<hbm>>) target_semaphore(%dma_start3A_254 : memref<!tpu.dma_semaphore, #tpu.memory_space<semaphore_mem>>)
    %add3A_259 = arith.constant 5632 : i32
    %add3A_260 = arith.addi %add3A_259, %mul3A_2 : i32
    %dma_start3A_261 = arith.constant 11 : i32
    %dma_start3A_262 = arith.constant 3 : i32
    %dma_start3A_263 = arith.constant 0 : i32
    %dma_start3A_264 = tpu.memref_slice %arg9[%dma_start3A_261, %dma_start3A_263] : memref<20x16xf32, #tpu.memory_space<vmem>> -> memref<1x16xf32, #tpu.memory_space<vmem>>
    %dma_start3A_265 = tpu.memref_squeeze %dma_start3A_264 : memref<1x16xf32, #tpu.memory_space<vmem>> -> memref<16xf32, #tpu.memory_space<vmem>>
    %dma_start3A_266 = tpu.memref_slice %arg5[%add3A_260] : memref<10240xf32, #tpu.memory_space<hbm>> -> memref<16xf32, #tpu.memory_space<hbm>>
    %dma_start3A_267 = tpu.memref_slice %arg13[%dma_start3A_262] : memref<4x!tpu.dma_semaphore, #tpu.memory_space<semaphore_mem>> -> memref<1x!tpu.dma_semaphore, #tpu.memory_space<semaphore_mem>>
    %dma_start3A_268 = tpu.memref_squeeze %dma_start3A_267 : memref<1x!tpu.dma_semaphore, #tpu.memory_space<semaphore_mem>> -> memref<!tpu.dma_semaphore, #tpu.memory_space<semaphore_mem>>
    %dma_start3A_269 = tpu.memref_slice %arg5[%add3A_260] : memref<10240xf32, #tpu.memory_space<hbm>> -> memref<16xf32, #tpu.memory_space<hbm>>
    %dma_start3A_270 = arith.constant 0 : i32
    %dma_start3A_271 = tpu.memref_slice %arg9[%dma_start3A_261, %dma_start3A_270] : memref<20x16xf32, #tpu.memory_space<vmem>> -> memref<1x16xf32, #tpu.memory_space<vmem>>
    %dma_start3A_272 = tpu.memref_squeeze %dma_start3A_271 : memref<1x16xf32, #tpu.memory_space<vmem>> -> memref<16xf32, #tpu.memory_space<vmem>>
    tpu.enqueue_dma source(%dma_start3A_272 : memref<16xf32, #tpu.memory_space<vmem>>) target(%dma_start3A_269 : memref<16xf32, #tpu.memory_space<hbm>>) target_semaphore(%dma_start3A_268 : memref<!tpu.dma_semaphore, #tpu.memory_space<semaphore_mem>>)
    %add3A_273 = arith.constant 6144 : i32
    %add3A_274 = arith.addi %add3A_273, %mul3A_2 : i32
    %dma_start3A_275 = arith.constant 12 : i32
    %dma_start3A_276 = arith.constant 3 : i32
    %dma_start3A_277 = arith.constant 0 : i32
    %dma_start3A_278 = tpu.memref_slice %arg9[%dma_start3A_275, %dma_start3A_277] : memref<20x16xf32, #tpu.memory_space<vmem>> -> memref<1x16xf32, #tpu.memory_space<vmem>>
    %dma_start3A_279 = tpu.memref_squeeze %dma_start3A_278 : memref<1x16xf32, #tpu.memory_space<vmem>> -> memref<16xf32, #tpu.memory_space<vmem>>
    %dma_start3A_280 = tpu.memref_slice %arg5[%add3A_274] : memref<10240xf32, #tpu.memory_space<hbm>> -> memref<16xf32, #tpu.memory_space<hbm>>
    %dma_start3A_281 = tpu.memref_slice %arg13[%dma_start3A_276] : memref<4x!tpu.dma_semaphore, #tpu.memory_space<semaphore_mem>> -> memref<1x!tpu.dma_semaphore, #tpu.memory_space<semaphore_mem>>
    %dma_start3A_282 = tpu.memref_squeeze %dma_start3A_281 : memref<1x!tpu.dma_semaphore, #tpu.memory_space<semaphore_mem>> -> memref<!tpu.dma_semaphore, #tpu.memory_space<semaphore_mem>>
    %dma_start3A_283 = tpu.memref_slice %arg5[%add3A_274] : memref<10240xf32, #tpu.memory_space<hbm>> -> memref<16xf32, #tpu.memory_space<hbm>>
    %dma_start3A_284 = arith.constant 0 : i32
    %dma_start3A_285 = tpu.memref_slice %arg9[%dma_start3A_275, %dma_start3A_284] : memref<20x16xf32, #tpu.memory_space<vmem>> -> memref<1x16xf32, #tpu.memory_space<vmem>>
    %dma_start3A_286 = tpu.memref_squeeze %dma_start3A_285 : memref<1x16xf32, #tpu.memory_space<vmem>> -> memref<16xf32, #tpu.memory_space<vmem>>
    tpu.enqueue_dma source(%dma_start3A_286 : memref<16xf32, #tpu.memory_space<vmem>>) target(%dma_start3A_283 : memref<16xf32, #tpu.memory_space<hbm>>) target_semaphore(%dma_start3A_282 : memref<!tpu.dma_semaphore, #tpu.memory_space<semaphore_mem>>)
    %add3A_287 = arith.constant 6656 : i32
    %add3A_288 = arith.addi %add3A_287, %mul3A_2 : i32
    %dma_start3A_289 = arith.constant 13 : i32
    %dma_start3A_290 = arith.constant 3 : i32
    %dma_start3A_291 = arith.constant 0 : i32
    %dma_start3A_292 = tpu.memref_slice %arg9[%dma_start3A_289, %dma_start3A_291] : memref<20x16xf32, #tpu.memory_space<vmem>> -> memref<1x16xf32, #tpu.memory_space<vmem>>
    %dma_start3A_293 = tpu.memref_squeeze %dma_start3A_292 : memref<1x16xf32, #tpu.memory_space<vmem>> -> memref<16xf32, #tpu.memory_space<vmem>>
    %dma_start3A_294 = tpu.memref_slice %arg5[%add3A_288] : memref<10240xf32, #tpu.memory_space<hbm>> -> memref<16xf32, #tpu.memory_space<hbm>>
    %dma_start3A_295 = tpu.memref_slice %arg13[%dma_start3A_290] : memref<4x!tpu.dma_semaphore, #tpu.memory_space<semaphore_mem>> -> memref<1x!tpu.dma_semaphore, #tpu.memory_space<semaphore_mem>>
    %dma_start3A_296 = tpu.memref_squeeze %dma_start3A_295 : memref<1x!tpu.dma_semaphore, #tpu.memory_space<semaphore_mem>> -> memref<!tpu.dma_semaphore, #tpu.memory_space<semaphore_mem>>
    %dma_start3A_297 = tpu.memref_slice %arg5[%add3A_288] : memref<10240xf32, #tpu.memory_space<hbm>> -> memref<16xf32, #tpu.memory_space<hbm>>
    %dma_start3A_298 = arith.constant 0 : i32
    %dma_start3A_299 = tpu.memref_slice %arg9[%dma_start3A_289, %dma_start3A_298] : memref<20x16xf32, #tpu.memory_space<vmem>> -> memref<1x16xf32, #tpu.memory_space<vmem>>
    %dma_start3A_300 = tpu.memref_squeeze %dma_start3A_299 : memref<1x16xf32, #tpu.memory_space<vmem>> -> memref<16xf32, #tpu.memory_space<vmem>>
    tpu.enqueue_dma source(%dma_start3A_300 : memref<16xf32, #tpu.memory_space<vmem>>) target(%dma_start3A_297 : memref<16xf32, #tpu.memory_space<hbm>>) target_semaphore(%dma_start3A_296 : memref<!tpu.dma_semaphore, #tpu.memory_space<semaphore_mem>>)
    %add3A_301 = arith.constant 7168 : i32
    %add3A_302 = arith.addi %add3A_301, %mul3A_2 : i32
    %dma_start3A_303 = arith.constant 14 : i32
    %dma_start3A_304 = arith.constant 3 : i32
    %dma_start3A_305 = arith.constant 0 : i32
    %dma_start3A_306 = tpu.memref_slice %arg9[%dma_start3A_303, %dma_start3A_305] : memref<20x16xf32, #tpu.memory_space<vmem>> -> memref<1x16xf32, #tpu.memory_space<vmem>>
    %dma_start3A_307 = tpu.memref_squeeze %dma_start3A_306 : memref<1x16xf32, #tpu.memory_space<vmem>> -> memref<16xf32, #tpu.memory_space<vmem>>
    %dma_start3A_308 = tpu.memref_slice %arg5[%add3A_302] : memref<10240xf32, #tpu.memory_space<hbm>> -> memref<16xf32, #tpu.memory_space<hbm>>
    %dma_start3A_309 = tpu.memref_slice %arg13[%dma_start3A_304] : memref<4x!tpu.dma_semaphore, #tpu.memory_space<semaphore_mem>> -> memref<1x!tpu.dma_semaphore, #tpu.memory_space<semaphore_mem>>
    %dma_start3A_310 = tpu.memref_squeeze %dma_start3A_309 : memref<1x!tpu.dma_semaphore, #tpu.memory_space<semaphore_mem>> -> memref<!tpu.dma_semaphore, #tpu.memory_space<semaphore_mem>>
    %dma_start3A_311 = tpu.memref_slice %arg5[%add3A_302] : memref<10240xf32, #tpu.memory_space<hbm>> -> memref<16xf32, #tpu.memory_space<hbm>>
    %dma_start3A_312 = arith.constant 0 : i32
    %dma_start3A_313 = tpu.memref_slice %arg9[%dma_start3A_303, %dma_start3A_312] : memref<20x16xf32, #tpu.memory_space<vmem>> -> memref<1x16xf32, #tpu.memory_space<vmem>>
    %dma_start3A_314 = tpu.memref_squeeze %dma_start3A_313 : memref<1x16xf32, #tpu.memory_space<vmem>> -> memref<16xf32, #tpu.memory_space<vmem>>
    tpu.enqueue_dma source(%dma_start3A_314 : memref<16xf32, #tpu.memory_space<vmem>>) target(%dma_start3A_311 : memref<16xf32, #tpu.memory_space<hbm>>) target_semaphore(%dma_start3A_310 : memref<!tpu.dma_semaphore, #tpu.memory_space<semaphore_mem>>)
    %add3A_315 = arith.constant 7680 : i32
    %add3A_316 = arith.addi %add3A_315, %mul3A_2 : i32
    %dma_start3A_317 = arith.constant 15 : i32
    %dma_start3A_318 = arith.constant 3 : i32
    %dma_start3A_319 = arith.constant 0 : i32
    %dma_start3A_320 = tpu.memref_slice %arg9[%dma_start3A_317, %dma_start3A_319] : memref<20x16xf32, #tpu.memory_space<vmem>> -> memref<1x16xf32, #tpu.memory_space<vmem>>
    %dma_start3A_321 = tpu.memref_squeeze %dma_start3A_320 : memref<1x16xf32, #tpu.memory_space<vmem>> -> memref<16xf32, #tpu.memory_space<vmem>>
    %dma_start3A_322 = tpu.memref_slice %arg5[%add3A_316] : memref<10240xf32, #tpu.memory_space<hbm>> -> memref<16xf32, #tpu.memory_space<hbm>>
    %dma_start3A_323 = tpu.memref_slice %arg13[%dma_start3A_318] : memref<4x!tpu.dma_semaphore, #tpu.memory_space<semaphore_mem>> -> memref<1x!tpu.dma_semaphore, #tpu.memory_space<semaphore_mem>>
    %dma_start3A_324 = tpu.memref_squeeze %dma_start3A_323 : memref<1x!tpu.dma_semaphore, #tpu.memory_space<semaphore_mem>> -> memref<!tpu.dma_semaphore, #tpu.memory_space<semaphore_mem>>
    %dma_start3A_325 = tpu.memref_slice %arg5[%add3A_316] : memref<10240xf32, #tpu.memory_space<hbm>> -> memref<16xf32, #tpu.memory_space<hbm>>
    %dma_start3A_326 = arith.constant 0 : i32
    %dma_start3A_327 = tpu.memref_slice %arg9[%dma_start3A_317, %dma_start3A_326] : memref<20x16xf32, #tpu.memory_space<vmem>> -> memref<1x16xf32, #tpu.memory_space<vmem>>
    %dma_start3A_328 = tpu.memref_squeeze %dma_start3A_327 : memref<1x16xf32, #tpu.memory_space<vmem>> -> memref<16xf32, #tpu.memory_space<vmem>>
    tpu.enqueue_dma source(%dma_start3A_328 : memref<16xf32, #tpu.memory_space<vmem>>) target(%dma_start3A_325 : memref<16xf32, #tpu.memory_space<hbm>>) target_semaphore(%dma_start3A_324 : memref<!tpu.dma_semaphore, #tpu.memory_space<semaphore_mem>>)
    %add3A_329 = arith.constant 8192 : i32
    %add3A_330 = arith.addi %add3A_329, %mul3A_2 : i32
    %dma_start3A_331 = arith.constant 16 : i32
    %dma_start3A_332 = arith.constant 3 : i32
    %dma_start3A_333 = arith.constant 0 : i32
    %dma_start3A_334 = tpu.memref_slice %arg9[%dma_start3A_331, %dma_start3A_333] : memref<20x16xf32, #tpu.memory_space<vmem>> -> memref<1x16xf32, #tpu.memory_space<vmem>>
    %dma_start3A_335 = tpu.memref_squeeze %dma_start3A_334 : memref<1x16xf32, #tpu.memory_space<vmem>> -> memref<16xf32, #tpu.memory_space<vmem>>
    %dma_start3A_336 = tpu.memref_slice %arg5[%add3A_330] : memref<10240xf32, #tpu.memory_space<hbm>> -> memref<16xf32, #tpu.memory_space<hbm>>
    %dma_start3A_337 = tpu.memref_slice %arg13[%dma_start3A_332] : memref<4x!tpu.dma_semaphore, #tpu.memory_space<semaphore_mem>> -> memref<1x!tpu.dma_semaphore, #tpu.memory_space<semaphore_mem>>
    %dma_start3A_338 = tpu.memref_squeeze %dma_start3A_337 : memref<1x!tpu.dma_semaphore, #tpu.memory_space<semaphore_mem>> -> memref<!tpu.dma_semaphore, #tpu.memory_space<semaphore_mem>>
    %dma_start3A_339 = tpu.memref_slice %arg5[%add3A_330] : memref<10240xf32, #tpu.memory_space<hbm>> -> memref<16xf32, #tpu.memory_space<hbm>>
    %dma_start3A_340 = arith.constant 0 : i32
    %dma_start3A_341 = tpu.memref_slice %arg9[%dma_start3A_331, %dma_start3A_340] : memref<20x16xf32, #tpu.memory_space<vmem>> -> memref<1x16xf32, #tpu.memory_space<vmem>>
    %dma_start3A_342 = tpu.memref_squeeze %dma_start3A_341 : memref<1x16xf32, #tpu.memory_space<vmem>> -> memref<16xf32, #tpu.memory_space<vmem>>
    tpu.enqueue_dma source(%dma_start3A_342 : memref<16xf32, #tpu.memory_space<vmem>>) target(%dma_start3A_339 : memref<16xf32, #tpu.memory_space<hbm>>) target_semaphore(%dma_start3A_338 : memref<!tpu.dma_semaphore, #tpu.memory_space<semaphore_mem>>)
    %add3A_343 = arith.constant 8704 : i32
    %add3A_344 = arith.addi %add3A_343, %mul3A_2 : i32
    %dma_start3A_345 = arith.constant 17 : i32
    %dma_start3A_346 = arith.constant 3 : i32
    %dma_start3A_347 = arith.constant 0 : i32
    %dma_start3A_348 = tpu.memref_slice %arg9[%dma_start3A_345, %dma_start3A_347] : memref<20x16xf32, #tpu.memory_space<vmem>> -> memref<1x16xf32, #tpu.memory_space<vmem>>
    %dma_start3A_349 = tpu.memref_squeeze %dma_start3A_348 : memref<1x16xf32, #tpu.memory_space<vmem>> -> memref<16xf32, #tpu.memory_space<vmem>>
    %dma_start3A_350 = tpu.memref_slice %arg5[%add3A_344] : memref<10240xf32, #tpu.memory_space<hbm>> -> memref<16xf32, #tpu.memory_space<hbm>>
    %dma_start3A_351 = tpu.memref_slice %arg13[%dma_start3A_346] : memref<4x!tpu.dma_semaphore, #tpu.memory_space<semaphore_mem>> -> memref<1x!tpu.dma_semaphore, #tpu.memory_space<semaphore_mem>>
    %dma_start3A_352 = tpu.memref_squeeze %dma_start3A_351 : memref<1x!tpu.dma_semaphore, #tpu.memory_space<semaphore_mem>> -> memref<!tpu.dma_semaphore, #tpu.memory_space<semaphore_mem>>
    %dma_start3A_353 = tpu.memref_slice %arg5[%add3A_344] : memref<10240xf32, #tpu.memory_space<hbm>> -> memref<16xf32, #tpu.memory_space<hbm>>
    %dma_start3A_354 = arith.constant 0 : i32
    %dma_start3A_355 = tpu.memref_slice %arg9[%dma_start3A_345, %dma_start3A_354] : memref<20x16xf32, #tpu.memory_space<vmem>> -> memref<1x16xf32, #tpu.memory_space<vmem>>
    %dma_start3A_356 = tpu.memref_squeeze %dma_start3A_355 : memref<1x16xf32, #tpu.memory_space<vmem>> -> memref<16xf32, #tpu.memory_space<vmem>>
    tpu.enqueue_dma source(%dma_start3A_356 : memref<16xf32, #tpu.memory_space<vmem>>) target(%dma_start3A_353 : memref<16xf32, #tpu.memory_space<hbm>>) target_semaphore(%dma_start3A_352 : memref<!tpu.dma_semaphore, #tpu.memory_space<semaphore_mem>>)
    %add3A_357 = arith.constant 9216 : i32
    %add3A_358 = arith.addi %add3A_357, %mul3A_2 : i32
    %dma_start3A_359 = arith.constant 18 : i32
    %dma_start3A_360 = arith.constant 3 : i32
    %dma_start3A_361 = arith.constant 0 : i32
    %dma_start3A_362 = tpu.memref_slice %arg9[%dma_start3A_359, %dma_start3A_361] : memref<20x16xf32, #tpu.memory_space<vmem>> -> memref<1x16xf32, #tpu.memory_space<vmem>>
    %dma_start3A_363 = tpu.memref_squeeze %dma_start3A_362 : memref<1x16xf32, #tpu.memory_space<vmem>> -> memref<16xf32, #tpu.memory_space<vmem>>
    %dma_start3A_364 = tpu.memref_slice %arg5[%add3A_358] : memref<10240xf32, #tpu.memory_space<hbm>> -> memref<16xf32, #tpu.memory_space<hbm>>
    %dma_start3A_365 = tpu.memref_slice %arg13[%dma_start3A_360] : memref<4x!tpu.dma_semaphore, #tpu.memory_space<semaphore_mem>> -> memref<1x!tpu.dma_semaphore, #tpu.memory_space<semaphore_mem>>
    %dma_start3A_366 = tpu.memref_squeeze %dma_start3A_365 : memref<1x!tpu.dma_semaphore, #tpu.memory_space<semaphore_mem>> -> memref<!tpu.dma_semaphore, #tpu.memory_space<semaphore_mem>>
    %dma_start3A_367 = tpu.memref_slice %arg5[%add3A_358] : memref<10240xf32, #tpu.memory_space<hbm>> -> memref<16xf32, #tpu.memory_space<hbm>>
    %dma_start3A_368 = arith.constant 0 : i32
    %dma_start3A_369 = tpu.memref_slice %arg9[%dma_start3A_359, %dma_start3A_368] : memref<20x16xf32, #tpu.memory_space<vmem>> -> memref<1x16xf32, #tpu.memory_space<vmem>>
    %dma_start3A_370 = tpu.memref_squeeze %dma_start3A_369 : memref<1x16xf32, #tpu.memory_space<vmem>> -> memref<16xf32, #tpu.memory_space<vmem>>
    tpu.enqueue_dma source(%dma_start3A_370 : memref<16xf32, #tpu.memory_space<vmem>>) target(%dma_start3A_367 : memref<16xf32, #tpu.memory_space<hbm>>) target_semaphore(%dma_start3A_366 : memref<!tpu.dma_semaphore, #tpu.memory_space<semaphore_mem>>)
    %add3A_371 = arith.constant 9728 : i32
    %add3A_372 = arith.addi %add3A_371, %mul3A_2 : i32
    %dma_start3A_373 = arith.constant 19 : i32
    %dma_start3A_374 = arith.constant 3 : i32
    %dma_start3A_375 = arith.constant 0 : i32
    %dma_start3A_376 = tpu.memref_slice %arg9[%dma_start3A_373, %dma_start3A_375] : memref<20x16xf32, #tpu.memory_space<vmem>> -> memref<1x16xf32, #tpu.memory_space<vmem>>
    %dma_start3A_377 = tpu.memref_squeeze %dma_start3A_376 : memref<1x16xf32, #tpu.memory_space<vmem>> -> memref<16xf32, #tpu.memory_space<vmem>>
    %dma_start3A_378 = tpu.memref_slice %arg5[%add3A_372] : memref<10240xf32, #tpu.memory_space<hbm>> -> memref<16xf32, #tpu.memory_space<hbm>>
    %dma_start3A_379 = tpu.memref_slice %arg13[%dma_start3A_374] : memref<4x!tpu.dma_semaphore, #tpu.memory_space<semaphore_mem>> -> memref<1x!tpu.dma_semaphore, #tpu.memory_space<semaphore_mem>>
    %dma_start3A_380 = tpu.memref_squeeze %dma_start3A_379 : memref<1x!tpu.dma_semaphore, #tpu.memory_space<semaphore_mem>> -> memref<!tpu.dma_semaphore, #tpu.memory_space<semaphore_mem>>
    %dma_start3A_381 = tpu.memref_slice %arg5[%add3A_372] : memref<10240xf32, #tpu.memory_space<hbm>> -> memref<16xf32, #tpu.memory_space<hbm>>
    %dma_start3A_382 = arith.constant 0 : i32
    %dma_start3A_383 = tpu.memref_slice %arg9[%dma_start3A_373, %dma_start3A_382] : memref<20x16xf32, #tpu.memory_space<vmem>> -> memref<1x16xf32, #tpu.memory_space<vmem>>
    %dma_start3A_384 = tpu.memref_squeeze %dma_start3A_383 : memref<1x16xf32, #tpu.memory_space<vmem>> -> memref<16xf32, #tpu.memory_space<vmem>>
    tpu.enqueue_dma source(%dma_start3A_384 : memref<16xf32, #tpu.memory_space<vmem>>) target(%dma_start3A_381 : memref<16xf32, #tpu.memory_space<hbm>>) target_semaphore(%dma_start3A_380 : memref<!tpu.dma_semaphore, #tpu.memory_space<semaphore_mem>>)
    %dma_wait3A_385 = arith.constant 0 : i32
    %dma_wait3A_386 = arith.constant 3 : i32
    %dma_wait3A_387 = arith.constant 0 : i32
    %dma_wait3A_388 = tpu.memref_slice %arg9[%dma_wait3A_385, %dma_wait3A_387] : memref<20x16xf32, #tpu.memory_space<vmem>> -> memref<1x16xf32, #tpu.memory_space<vmem>>
    %dma_wait3A_389 = tpu.memref_squeeze %dma_wait3A_388 : memref<1x16xf32, #tpu.memory_space<vmem>> -> memref<16xf32, #tpu.memory_space<vmem>>
    %dma_wait3A_390 = tpu.memref_slice %arg5[%add3A_106] : memref<10240xf32, #tpu.memory_space<hbm>> -> memref<16xf32, #tpu.memory_space<hbm>>
    %dma_wait3A_391 = tpu.memref_slice %arg13[%dma_wait3A_386] : memref<4x!tpu.dma_semaphore, #tpu.memory_space<semaphore_mem>> -> memref<1x!tpu.dma_semaphore, #tpu.memory_space<semaphore_mem>>
    %dma_wait3A_392 = tpu.memref_squeeze %dma_wait3A_391 : memref<1x!tpu.dma_semaphore, #tpu.memory_space<semaphore_mem>> -> memref<!tpu.dma_semaphore, #tpu.memory_space<semaphore_mem>>
    %dma_wait3A_393 = tpu.memref_slice %arg5[%add3A_106] : memref<10240xf32, #tpu.memory_space<hbm>> -> memref<16xf32, #tpu.memory_space<hbm>>
    %dma_wait3A_394 = arith.constant 0 : i32
    %dma_wait3A_395 = tpu.memref_slice %arg9[%dma_wait3A_385, %dma_wait3A_394] : memref<20x16xf32, #tpu.memory_space<vmem>> -> memref<1x16xf32, #tpu.memory_space<vmem>>
    %dma_wait3A_396 = tpu.memref_squeeze %dma_wait3A_395 : memref<1x16xf32, #tpu.memory_space<vmem>> -> memref<16xf32, #tpu.memory_space<vmem>>
    tpu.wait_dma2 semaphore(%dma_wait3A_392 : memref<!tpu.dma_semaphore, #tpu.memory_space<semaphore_mem>>) src(%dma_wait3A_396 : memref<16xf32, #tpu.memory_space<vmem>>) dst(%dma_wait3A_393 : memref<16xf32, #tpu.memory_space<hbm>>)
    %dma_wait3A_397 = arith.constant 1 : i32
    %dma_wait3A_398 = arith.constant 3 : i32
    %dma_wait3A_399 = arith.constant 0 : i32
    %dma_wait3A_400 = tpu.memref_slice %arg9[%dma_wait3A_397, %dma_wait3A_399] : memref<20x16xf32, #tpu.memory_space<vmem>> -> memref<1x16xf32, #tpu.memory_space<vmem>>
    %dma_wait3A_401 = tpu.memref_squeeze %dma_wait3A_400 : memref<1x16xf32, #tpu.memory_space<vmem>> -> memref<16xf32, #tpu.memory_space<vmem>>
    %dma_wait3A_402 = tpu.memref_slice %arg5[%add3A_120] : memref<10240xf32, #tpu.memory_space<hbm>> -> memref<16xf32, #tpu.memory_space<hbm>>
    %dma_wait3A_403 = tpu.memref_slice %arg13[%dma_wait3A_398] : memref<4x!tpu.dma_semaphore, #tpu.memory_space<semaphore_mem>> -> memref<1x!tpu.dma_semaphore, #tpu.memory_space<semaphore_mem>>
    %dma_wait3A_404 = tpu.memref_squeeze %dma_wait3A_403 : memref<1x!tpu.dma_semaphore, #tpu.memory_space<semaphore_mem>> -> memref<!tpu.dma_semaphore, #tpu.memory_space<semaphore_mem>>
    %dma_wait3A_405 = tpu.memref_slice %arg5[%add3A_120] : memref<10240xf32, #tpu.memory_space<hbm>> -> memref<16xf32, #tpu.memory_space<hbm>>
    %dma_wait3A_406 = arith.constant 0 : i32
    %dma_wait3A_407 = tpu.memref_slice %arg9[%dma_wait3A_397, %dma_wait3A_406] : memref<20x16xf32, #tpu.memory_space<vmem>> -> memref<1x16xf32, #tpu.memory_space<vmem>>
    %dma_wait3A_408 = tpu.memref_squeeze %dma_wait3A_407 : memref<1x16xf32, #tpu.memory_space<vmem>> -> memref<16xf32, #tpu.memory_space<vmem>>
    tpu.wait_dma2 semaphore(%dma_wait3A_404 : memref<!tpu.dma_semaphore, #tpu.memory_space<semaphore_mem>>) src(%dma_wait3A_408 : memref<16xf32, #tpu.memory_space<vmem>>) dst(%dma_wait3A_405 : memref<16xf32, #tpu.memory_space<hbm>>)
    %dma_wait3A_409 = arith.constant 2 : i32
    %dma_wait3A_410 = arith.constant 3 : i32
    %dma_wait3A_411 = arith.constant 0 : i32
    %dma_wait3A_412 = tpu.memref_slice %arg9[%dma_wait3A_409, %dma_wait3A_411] : memref<20x16xf32, #tpu.memory_space<vmem>> -> memref<1x16xf32, #tpu.memory_space<vmem>>
    %dma_wait3A_413 = tpu.memref_squeeze %dma_wait3A_412 : memref<1x16xf32, #tpu.memory_space<vmem>> -> memref<16xf32, #tpu.memory_space<vmem>>
    %dma_wait3A_414 = tpu.memref_slice %arg5[%add3A_134] : memref<10240xf32, #tpu.memory_space<hbm>> -> memref<16xf32, #tpu.memory_space<hbm>>
    %dma_wait3A_415 = tpu.memref_slice %arg13[%dma_wait3A_410] : memref<4x!tpu.dma_semaphore, #tpu.memory_space<semaphore_mem>> -> memref<1x!tpu.dma_semaphore, #tpu.memory_space<semaphore_mem>>
    %dma_wait3A_416 = tpu.memref_squeeze %dma_wait3A_415 : memref<1x!tpu.dma_semaphore, #tpu.memory_space<semaphore_mem>> -> memref<!tpu.dma_semaphore, #tpu.memory_space<semaphore_mem>>
    %dma_wait3A_417 = tpu.memref_slice %arg5[%add3A_134] : memref<10240xf32, #tpu.memory_space<hbm>> -> memref<16xf32, #tpu.memory_space<hbm>>
    %dma_wait3A_418 = arith.constant 0 : i32
    %dma_wait3A_419 = tpu.memref_slice %arg9[%dma_wait3A_409, %dma_wait3A_418] : memref<20x16xf32, #tpu.memory_space<vmem>> -> memref<1x16xf32, #tpu.memory_space<vmem>>
    %dma_wait3A_420 = tpu.memref_squeeze %dma_wait3A_419 : memref<1x16xf32, #tpu.memory_space<vmem>> -> memref<16xf32, #tpu.memory_space<vmem>>
    tpu.wait_dma2 semaphore(%dma_wait3A_416 : memref<!tpu.dma_semaphore, #tpu.memory_space<semaphore_mem>>) src(%dma_wait3A_420 : memref<16xf32, #tpu.memory_space<vmem>>) dst(%dma_wait3A_417 : memref<16xf32, #tpu.memory_space<hbm>>)
    %dma_wait3A_421 = arith.constant 3 : i32
    %dma_wait3A_422 = arith.constant 3 : i32
    %dma_wait3A_423 = arith.constant 0 : i32
    %dma_wait3A_424 = tpu.memref_slice %arg9[%dma_wait3A_421, %dma_wait3A_423] : memref<20x16xf32, #tpu.memory_space<vmem>> -> memref<1x16xf32, #tpu.memory_space<vmem>>
    %dma_wait3A_425 = tpu.memref_squeeze %dma_wait3A_424 : memref<1x16xf32, #tpu.memory_space<vmem>> -> memref<16xf32, #tpu.memory_space<vmem>>
    %dma_wait3A_426 = tpu.memref_slice %arg5[%add3A_148] : memref<10240xf32, #tpu.memory_space<hbm>> -> memref<16xf32, #tpu.memory_space<hbm>>
    %dma_wait3A_427 = tpu.memref_slice %arg13[%dma_wait3A_422] : memref<4x!tpu.dma_semaphore, #tpu.memory_space<semaphore_mem>> -> memref<1x!tpu.dma_semaphore, #tpu.memory_space<semaphore_mem>>
    %dma_wait3A_428 = tpu.memref_squeeze %dma_wait3A_427 : memref<1x!tpu.dma_semaphore, #tpu.memory_space<semaphore_mem>> -> memref<!tpu.dma_semaphore, #tpu.memory_space<semaphore_mem>>
    %dma_wait3A_429 = tpu.memref_slice %arg5[%add3A_148] : memref<10240xf32, #tpu.memory_space<hbm>> -> memref<16xf32, #tpu.memory_space<hbm>>
    %dma_wait3A_430 = arith.constant 0 : i32
    %dma_wait3A_431 = tpu.memref_slice %arg9[%dma_wait3A_421, %dma_wait3A_430] : memref<20x16xf32, #tpu.memory_space<vmem>> -> memref<1x16xf32, #tpu.memory_space<vmem>>
    %dma_wait3A_432 = tpu.memref_squeeze %dma_wait3A_431 : memref<1x16xf32, #tpu.memory_space<vmem>> -> memref<16xf32, #tpu.memory_space<vmem>>
    tpu.wait_dma2 semaphore(%dma_wait3A_428 : memref<!tpu.dma_semaphore, #tpu.memory_space<semaphore_mem>>) src(%dma_wait3A_432 : memref<16xf32, #tpu.memory_space<vmem>>) dst(%dma_wait3A_429 : memref<16xf32, #tpu.memory_space<hbm>>)
    %dma_wait3A_433 = arith.constant 4 : i32
    %dma_wait3A_434 = arith.constant 3 : i32
    %dma_wait3A_435 = arith.constant 0 : i32
    %dma_wait3A_436 = tpu.memref_slice %arg9[%dma_wait3A_433, %dma_wait3A_435] : memref<20x16xf32, #tpu.memory_space<vmem>> -> memref<1x16xf32, #tpu.memory_space<vmem>>
    %dma_wait3A_437 = tpu.memref_squeeze %dma_wait3A_436 : memref<1x16xf32, #tpu.memory_space<vmem>> -> memref<16xf32, #tpu.memory_space<vmem>>
    %dma_wait3A_438 = tpu.memref_slice %arg5[%add3A_162] : memref<10240xf32, #tpu.memory_space<hbm>> -> memref<16xf32, #tpu.memory_space<hbm>>
    %dma_wait3A_439 = tpu.memref_slice %arg13[%dma_wait3A_434] : memref<4x!tpu.dma_semaphore, #tpu.memory_space<semaphore_mem>> -> memref<1x!tpu.dma_semaphore, #tpu.memory_space<semaphore_mem>>
    %dma_wait3A_440 = tpu.memref_squeeze %dma_wait3A_439 : memref<1x!tpu.dma_semaphore, #tpu.memory_space<semaphore_mem>> -> memref<!tpu.dma_semaphore, #tpu.memory_space<semaphore_mem>>
    %dma_wait3A_441 = tpu.memref_slice %arg5[%add3A_162] : memref<10240xf32, #tpu.memory_space<hbm>> -> memref<16xf32, #tpu.memory_space<hbm>>
    %dma_wait3A_442 = arith.constant 0 : i32
    %dma_wait3A_443 = tpu.memref_slice %arg9[%dma_wait3A_433, %dma_wait3A_442] : memref<20x16xf32, #tpu.memory_space<vmem>> -> memref<1x16xf32, #tpu.memory_space<vmem>>
    %dma_wait3A_444 = tpu.memref_squeeze %dma_wait3A_443 : memref<1x16xf32, #tpu.memory_space<vmem>> -> memref<16xf32, #tpu.memory_space<vmem>>
    tpu.wait_dma2 semaphore(%dma_wait3A_440 : memref<!tpu.dma_semaphore, #tpu.memory_space<semaphore_mem>>) src(%dma_wait3A_444 : memref<16xf32, #tpu.memory_space<vmem>>) dst(%dma_wait3A_441 : memref<16xf32, #tpu.memory_space<hbm>>)
    %dma_wait3A_445 = arith.constant 5 : i32
    %dma_wait3A_446 = arith.constant 3 : i32
    %dma_wait3A_447 = arith.constant 0 : i32
    %dma_wait3A_448 = tpu.memref_slice %arg9[%dma_wait3A_445, %dma_wait3A_447] : memref<20x16xf32, #tpu.memory_space<vmem>> -> memref<1x16xf32, #tpu.memory_space<vmem>>
    %dma_wait3A_449 = tpu.memref_squeeze %dma_wait3A_448 : memref<1x16xf32, #tpu.memory_space<vmem>> -> memref<16xf32, #tpu.memory_space<vmem>>
    %dma_wait3A_450 = tpu.memref_slice %arg5[%add3A_176] : memref<10240xf32, #tpu.memory_space<hbm>> -> memref<16xf32, #tpu.memory_space<hbm>>
    %dma_wait3A_451 = tpu.memref_slice %arg13[%dma_wait3A_446] : memref<4x!tpu.dma_semaphore, #tpu.memory_space<semaphore_mem>> -> memref<1x!tpu.dma_semaphore, #tpu.memory_space<semaphore_mem>>
    %dma_wait3A_452 = tpu.memref_squeeze %dma_wait3A_451 : memref<1x!tpu.dma_semaphore, #tpu.memory_space<semaphore_mem>> -> memref<!tpu.dma_semaphore, #tpu.memory_space<semaphore_mem>>
    %dma_wait3A_453 = tpu.memref_slice %arg5[%add3A_176] : memref<10240xf32, #tpu.memory_space<hbm>> -> memref<16xf32, #tpu.memory_space<hbm>>
    %dma_wait3A_454 = arith.constant 0 : i32
    %dma_wait3A_455 = tpu.memref_slice %arg9[%dma_wait3A_445, %dma_wait3A_454] : memref<20x16xf32, #tpu.memory_space<vmem>> -> memref<1x16xf32, #tpu.memory_space<vmem>>
    %dma_wait3A_456 = tpu.memref_squeeze %dma_wait3A_455 : memref<1x16xf32, #tpu.memory_space<vmem>> -> memref<16xf32, #tpu.memory_space<vmem>>
    tpu.wait_dma2 semaphore(%dma_wait3A_452 : memref<!tpu.dma_semaphore, #tpu.memory_space<semaphore_mem>>) src(%dma_wait3A_456 : memref<16xf32, #tpu.memory_space<vmem>>) dst(%dma_wait3A_453 : memref<16xf32, #tpu.memory_space<hbm>>)
    %dma_wait3A_457 = arith.constant 6 : i32
    %dma_wait3A_458 = arith.constant 3 : i32
    %dma_wait3A_459 = arith.constant 0 : i32
    %dma_wait3A_460 = tpu.memref_slice %arg9[%dma_wait3A_457, %dma_wait3A_459] : memref<20x16xf32, #tpu.memory_space<vmem>> -> memref<1x16xf32, #tpu.memory_space<vmem>>
    %dma_wait3A_461 = tpu.memref_squeeze %dma_wait3A_460 : memref<1x16xf32, #tpu.memory_space<vmem>> -> memref<16xf32, #tpu.memory_space<vmem>>
    %dma_wait3A_462 = tpu.memref_slice %arg5[%add3A_190] : memref<10240xf32, #tpu.memory_space<hbm>> -> memref<16xf32, #tpu.memory_space<hbm>>
    %dma_wait3A_463 = tpu.memref_slice %arg13[%dma_wait3A_458] : memref<4x!tpu.dma_semaphore, #tpu.memory_space<semaphore_mem>> -> memref<1x!tpu.dma_semaphore, #tpu.memory_space<semaphore_mem>>
    %dma_wait3A_464 = tpu.memref_squeeze %dma_wait3A_463 : memref<1x!tpu.dma_semaphore, #tpu.memory_space<semaphore_mem>> -> memref<!tpu.dma_semaphore, #tpu.memory_space<semaphore_mem>>
    %dma_wait3A_465 = tpu.memref_slice %arg5[%add3A_190] : memref<10240xf32, #tpu.memory_space<hbm>> -> memref<16xf32, #tpu.memory_space<hbm>>
    %dma_wait3A_466 = arith.constant 0 : i32
    %dma_wait3A_467 = tpu.memref_slice %arg9[%dma_wait3A_457, %dma_wait3A_466] : memref<20x16xf32, #tpu.memory_space<vmem>> -> memref<1x16xf32, #tpu.memory_space<vmem>>
    %dma_wait3A_468 = tpu.memref_squeeze %dma_wait3A_467 : memref<1x16xf32, #tpu.memory_space<vmem>> -> memref<16xf32, #tpu.memory_space<vmem>>
    tpu.wait_dma2 semaphore(%dma_wait3A_464 : memref<!tpu.dma_semaphore, #tpu.memory_space<semaphore_mem>>) src(%dma_wait3A_468 : memref<16xf32, #tpu.memory_space<vmem>>) dst(%dma_wait3A_465 : memref<16xf32, #tpu.memory_space<hbm>>)
    %dma_wait3A_469 = arith.constant 7 : i32
    %dma_wait3A_470 = arith.constant 3 : i32
    %dma_wait3A_471 = arith.constant 0 : i32
    %dma_wait3A_472 = tpu.memref_slice %arg9[%dma_wait3A_469, %dma_wait3A_471] : memref<20x16xf32, #tpu.memory_space<vmem>> -> memref<1x16xf32, #tpu.memory_space<vmem>>
    %dma_wait3A_473 = tpu.memref_squeeze %dma_wait3A_472 : memref<1x16xf32, #tpu.memory_space<vmem>> -> memref<16xf32, #tpu.memory_space<vmem>>
    %dma_wait3A_474 = tpu.memref_slice %arg5[%add3A_204] : memref<10240xf32, #tpu.memory_space<hbm>> -> memref<16xf32, #tpu.memory_space<hbm>>
    %dma_wait3A_475 = tpu.memref_slice %arg13[%dma_wait3A_470] : memref<4x!tpu.dma_semaphore, #tpu.memory_space<semaphore_mem>> -> memref<1x!tpu.dma_semaphore, #tpu.memory_space<semaphore_mem>>
    %dma_wait3A_476 = tpu.memref_squeeze %dma_wait3A_475 : memref<1x!tpu.dma_semaphore, #tpu.memory_space<semaphore_mem>> -> memref<!tpu.dma_semaphore, #tpu.memory_space<semaphore_mem>>
    %dma_wait3A_477 = tpu.memref_slice %arg5[%add3A_204] : memref<10240xf32, #tpu.memory_space<hbm>> -> memref<16xf32, #tpu.memory_space<hbm>>
    %dma_wait3A_478 = arith.constant 0 : i32
    %dma_wait3A_479 = tpu.memref_slice %arg9[%dma_wait3A_469, %dma_wait3A_478] : memref<20x16xf32, #tpu.memory_space<vmem>> -> memref<1x16xf32, #tpu.memory_space<vmem>>
    %dma_wait3A_480 = tpu.memref_squeeze %dma_wait3A_479 : memref<1x16xf32, #tpu.memory_space<vmem>> -> memref<16xf32, #tpu.memory_space<vmem>>
    tpu.wait_dma2 semaphore(%dma_wait3A_476 : memref<!tpu.dma_semaphore, #tpu.memory_space<semaphore_mem>>) src(%dma_wait3A_480 : memref<16xf32, #tpu.memory_space<vmem>>) dst(%dma_wait3A_477 : memref<16xf32, #tpu.memory_space<hbm>>)
    %dma_wait3A_481 = arith.constant 8 : i32
    %dma_wait3A_482 = arith.constant 3 : i32
    %dma_wait3A_483 = arith.constant 0 : i32
    %dma_wait3A_484 = tpu.memref_slice %arg9[%dma_wait3A_481, %dma_wait3A_483] : memref<20x16xf32, #tpu.memory_space<vmem>> -> memref<1x16xf32, #tpu.memory_space<vmem>>
    %dma_wait3A_485 = tpu.memref_squeeze %dma_wait3A_484 : memref<1x16xf32, #tpu.memory_space<vmem>> -> memref<16xf32, #tpu.memory_space<vmem>>
    %dma_wait3A_486 = tpu.memref_slice %arg5[%add3A_218] : memref<10240xf32, #tpu.memory_space<hbm>> -> memref<16xf32, #tpu.memory_space<hbm>>
    %dma_wait3A_487 = tpu.memref_slice %arg13[%dma_wait3A_482] : memref<4x!tpu.dma_semaphore, #tpu.memory_space<semaphore_mem>> -> memref<1x!tpu.dma_semaphore, #tpu.memory_space<semaphore_mem>>
    %dma_wait3A_488 = tpu.memref_squeeze %dma_wait3A_487 : memref<1x!tpu.dma_semaphore, #tpu.memory_space<semaphore_mem>> -> memref<!tpu.dma_semaphore, #tpu.memory_space<semaphore_mem>>
    %dma_wait3A_489 = tpu.memref_slice %arg5[%add3A_218] : memref<10240xf32, #tpu.memory_space<hbm>> -> memref<16xf32, #tpu.memory_space<hbm>>
    %dma_wait3A_490 = arith.constant 0 : i32
    %dma_wait3A_491 = tpu.memref_slice %arg9[%dma_wait3A_481, %dma_wait3A_490] : memref<20x16xf32, #tpu.memory_space<vmem>> -> memref<1x16xf32, #tpu.memory_space<vmem>>
    %dma_wait3A_492 = tpu.memref_squeeze %dma_wait3A_491 : memref<1x16xf32, #tpu.memory_space<vmem>> -> memref<16xf32, #tpu.memory_space<vmem>>
    tpu.wait_dma2 semaphore(%dma_wait3A_488 : memref<!tpu.dma_semaphore, #tpu.memory_space<semaphore_mem>>) src(%dma_wait3A_492 : memref<16xf32, #tpu.memory_space<vmem>>) dst(%dma_wait3A_489 : memref<16xf32, #tpu.memory_space<hbm>>)
    %dma_wait3A_493 = arith.constant 9 : i32
    %dma_wait3A_494 = arith.constant 3 : i32
    %dma_wait3A_495 = arith.constant 0 : i32
    %dma_wait3A_496 = tpu.memref_slice %arg9[%dma_wait3A_493, %dma_wait3A_495] : memref<20x16xf32, #tpu.memory_space<vmem>> -> memref<1x16xf32, #tpu.memory_space<vmem>>
    %dma_wait3A_497 = tpu.memref_squeeze %dma_wait3A_496 : memref<1x16xf32, #tpu.memory_space<vmem>> -> memref<16xf32, #tpu.memory_space<vmem>>
    %dma_wait3A_498 = tpu.memref_slice %arg5[%add3A_232] : memref<10240xf32, #tpu.memory_space<hbm>> -> memref<16xf32, #tpu.memory_space<hbm>>
    %dma_wait3A_499 = tpu.memref_slice %arg13[%dma_wait3A_494] : memref<4x!tpu.dma_semaphore, #tpu.memory_space<semaphore_mem>> -> memref<1x!tpu.dma_semaphore, #tpu.memory_space<semaphore_mem>>
    %dma_wait3A_500 = tpu.memref_squeeze %dma_wait3A_499 : memref<1x!tpu.dma_semaphore, #tpu.memory_space<semaphore_mem>> -> memref<!tpu.dma_semaphore, #tpu.memory_space<semaphore_mem>>
    %dma_wait3A_501 = tpu.memref_slice %arg5[%add3A_232] : memref<10240xf32, #tpu.memory_space<hbm>> -> memref<16xf32, #tpu.memory_space<hbm>>
    %dma_wait3A_502 = arith.constant 0 : i32
    %dma_wait3A_503 = tpu.memref_slice %arg9[%dma_wait3A_493, %dma_wait3A_502] : memref<20x16xf32, #tpu.memory_space<vmem>> -> memref<1x16xf32, #tpu.memory_space<vmem>>
    %dma_wait3A_504 = tpu.memref_squeeze %dma_wait3A_503 : memref<1x16xf32, #tpu.memory_space<vmem>> -> memref<16xf32, #tpu.memory_space<vmem>>
    tpu.wait_dma2 semaphore(%dma_wait3A_500 : memref<!tpu.dma_semaphore, #tpu.memory_space<semaphore_mem>>) src(%dma_wait3A_504 : memref<16xf32, #tpu.memory_space<vmem>>) dst(%dma_wait3A_501 : memref<16xf32, #tpu.memory_space<hbm>>)
    %dma_wait3A_505 = arith.constant 10 : i32
    %dma_wait3A_506 = arith.constant 3 : i32
    %dma_wait3A_507 = arith.constant 0 : i32
    %dma_wait3A_508 = tpu.memref_slice %arg9[%dma_wait3A_505, %dma_wait3A_507] : memref<20x16xf32, #tpu.memory_space<vmem>> -> memref<1x16xf32, #tpu.memory_space<vmem>>
    %dma_wait3A_509 = tpu.memref_squeeze %dma_wait3A_508 : memref<1x16xf32, #tpu.memory_space<vmem>> -> memref<16xf32, #tpu.memory_space<vmem>>
    %dma_wait3A_510 = tpu.memref_slice %arg5[%add3A_246] : memref<10240xf32, #tpu.memory_space<hbm>> -> memref<16xf32, #tpu.memory_space<hbm>>
    %dma_wait3A_511 = tpu.memref_slice %arg13[%dma_wait3A_506] : memref<4x!tpu.dma_semaphore, #tpu.memory_space<semaphore_mem>> -> memref<1x!tpu.dma_semaphore, #tpu.memory_space<semaphore_mem>>
    %dma_wait3A_512 = tpu.memref_squeeze %dma_wait3A_511 : memref<1x!tpu.dma_semaphore, #tpu.memory_space<semaphore_mem>> -> memref<!tpu.dma_semaphore, #tpu.memory_space<semaphore_mem>>
    %dma_wait3A_513 = tpu.memref_slice %arg5[%add3A_246] : memref<10240xf32, #tpu.memory_space<hbm>> -> memref<16xf32, #tpu.memory_space<hbm>>
    %dma_wait3A_514 = arith.constant 0 : i32
    %dma_wait3A_515 = tpu.memref_slice %arg9[%dma_wait3A_505, %dma_wait3A_514] : memref<20x16xf32, #tpu.memory_space<vmem>> -> memref<1x16xf32, #tpu.memory_space<vmem>>
    %dma_wait3A_516 = tpu.memref_squeeze %dma_wait3A_515 : memref<1x16xf32, #tpu.memory_space<vmem>> -> memref<16xf32, #tpu.memory_space<vmem>>
    tpu.wait_dma2 semaphore(%dma_wait3A_512 : memref<!tpu.dma_semaphore, #tpu.memory_space<semaphore_mem>>) src(%dma_wait3A_516 : memref<16xf32, #tpu.memory_space<vmem>>) dst(%dma_wait3A_513 : memref<16xf32, #tpu.memory_space<hbm>>)
    %dma_wait3A_517 = arith.constant 11 : i32
    %dma_wait3A_518 = arith.constant 3 : i32
    %dma_wait3A_519 = arith.constant 0 : i32
    %dma_wait3A_520 = tpu.memref_slice %arg9[%dma_wait3A_517, %dma_wait3A_519] : memref<20x16xf32, #tpu.memory_space<vmem>> -> memref<1x16xf32, #tpu.memory_space<vmem>>
    %dma_wait3A_521 = tpu.memref_squeeze %dma_wait3A_520 : memref<1x16xf32, #tpu.memory_space<vmem>> -> memref<16xf32, #tpu.memory_space<vmem>>
    %dma_wait3A_522 = tpu.memref_slice %arg5[%add3A_260] : memref<10240xf32, #tpu.memory_space<hbm>> -> memref<16xf32, #tpu.memory_space<hbm>>
    %dma_wait3A_523 = tpu.memref_slice %arg13[%dma_wait3A_518] : memref<4x!tpu.dma_semaphore, #tpu.memory_space<semaphore_mem>> -> memref<1x!tpu.dma_semaphore, #tpu.memory_space<semaphore_mem>>
    %dma_wait3A_524 = tpu.memref_squeeze %dma_wait3A_523 : memref<1x!tpu.dma_semaphore, #tpu.memory_space<semaphore_mem>> -> memref<!tpu.dma_semaphore, #tpu.memory_space<semaphore_mem>>
    %dma_wait3A_525 = tpu.memref_slice %arg5[%add3A_260] : memref<10240xf32, #tpu.memory_space<hbm>> -> memref<16xf32, #tpu.memory_space<hbm>>
    %dma_wait3A_526 = arith.constant 0 : i32
    %dma_wait3A_527 = tpu.memref_slice %arg9[%dma_wait3A_517, %dma_wait3A_526] : memref<20x16xf32, #tpu.memory_space<vmem>> -> memref<1x16xf32, #tpu.memory_space<vmem>>
    %dma_wait3A_528 = tpu.memref_squeeze %dma_wait3A_527 : memref<1x16xf32, #tpu.memory_space<vmem>> -> memref<16xf32, #tpu.memory_space<vmem>>
    tpu.wait_dma2 semaphore(%dma_wait3A_524 : memref<!tpu.dma_semaphore, #tpu.memory_space<semaphore_mem>>) src(%dma_wait3A_528 : memref<16xf32, #tpu.memory_space<vmem>>) dst(%dma_wait3A_525 : memref<16xf32, #tpu.memory_space<hbm>>)
    %dma_wait3A_529 = arith.constant 12 : i32
    %dma_wait3A_530 = arith.constant 3 : i32
    %dma_wait3A_531 = arith.constant 0 : i32
    %dma_wait3A_532 = tpu.memref_slice %arg9[%dma_wait3A_529, %dma_wait3A_531] : memref<20x16xf32, #tpu.memory_space<vmem>> -> memref<1x16xf32, #tpu.memory_space<vmem>>
    %dma_wait3A_533 = tpu.memref_squeeze %dma_wait3A_532 : memref<1x16xf32, #tpu.memory_space<vmem>> -> memref<16xf32, #tpu.memory_space<vmem>>
    %dma_wait3A_534 = tpu.memref_slice %arg5[%add3A_274] : memref<10240xf32, #tpu.memory_space<hbm>> -> memref<16xf32, #tpu.memory_space<hbm>>
    %dma_wait3A_535 = tpu.memref_slice %arg13[%dma_wait3A_530] : memref<4x!tpu.dma_semaphore, #tpu.memory_space<semaphore_mem>> -> memref<1x!tpu.dma_semaphore, #tpu.memory_space<semaphore_mem>>
    %dma_wait3A_536 = tpu.memref_squeeze %dma_wait3A_535 : memref<1x!tpu.dma_semaphore, #tpu.memory_space<semaphore_mem>> -> memref<!tpu.dma_semaphore, #tpu.memory_space<semaphore_mem>>
    %dma_wait3A_537 = tpu.memref_slice %arg5[%add3A_274] : memref<10240xf32, #tpu.memory_space<hbm>> -> memref<16xf32, #tpu.memory_space<hbm>>
    %dma_wait3A_538 = arith.constant 0 : i32
    %dma_wait3A_539 = tpu.memref_slice %arg9[%dma_wait3A_529, %dma_wait3A_538] : memref<20x16xf32, #tpu.memory_space<vmem>> -> memref<1x16xf32, #tpu.memory_space<vmem>>
    %dma_wait3A_540 = tpu.memref_squeeze %dma_wait3A_539 : memref<1x16xf32, #tpu.memory_space<vmem>> -> memref<16xf32, #tpu.memory_space<vmem>>
    tpu.wait_dma2 semaphore(%dma_wait3A_536 : memref<!tpu.dma_semaphore, #tpu.memory_space<semaphore_mem>>) src(%dma_wait3A_540 : memref<16xf32, #tpu.memory_space<vmem>>) dst(%dma_wait3A_537 : memref<16xf32, #tpu.memory_space<hbm>>)
    %dma_wait3A_541 = arith.constant 13 : i32
    %dma_wait3A_542 = arith.constant 3 : i32
    %dma_wait3A_543 = arith.constant 0 : i32
    %dma_wait3A_544 = tpu.memref_slice %arg9[%dma_wait3A_541, %dma_wait3A_543] : memref<20x16xf32, #tpu.memory_space<vmem>> -> memref<1x16xf32, #tpu.memory_space<vmem>>
    %dma_wait3A_545 = tpu.memref_squeeze %dma_wait3A_544 : memref<1x16xf32, #tpu.memory_space<vmem>> -> memref<16xf32, #tpu.memory_space<vmem>>
    %dma_wait3A_546 = tpu.memref_slice %arg5[%add3A_288] : memref<10240xf32, #tpu.memory_space<hbm>> -> memref<16xf32, #tpu.memory_space<hbm>>
    %dma_wait3A_547 = tpu.memref_slice %arg13[%dma_wait3A_542] : memref<4x!tpu.dma_semaphore, #tpu.memory_space<semaphore_mem>> -> memref<1x!tpu.dma_semaphore, #tpu.memory_space<semaphore_mem>>
    %dma_wait3A_548 = tpu.memref_squeeze %dma_wait3A_547 : memref<1x!tpu.dma_semaphore, #tpu.memory_space<semaphore_mem>> -> memref<!tpu.dma_semaphore, #tpu.memory_space<semaphore_mem>>
    %dma_wait3A_549 = tpu.memref_slice %arg5[%add3A_288] : memref<10240xf32, #tpu.memory_space<hbm>> -> memref<16xf32, #tpu.memory_space<hbm>>
    %dma_wait3A_550 = arith.constant 0 : i32
    %dma_wait3A_551 = tpu.memref_slice %arg9[%dma_wait3A_541, %dma_wait3A_550] : memref<20x16xf32, #tpu.memory_space<vmem>> -> memref<1x16xf32, #tpu.memory_space<vmem>>
    %dma_wait3A_552 = tpu.memref_squeeze %dma_wait3A_551 : memref<1x16xf32, #tpu.memory_space<vmem>> -> memref<16xf32, #tpu.memory_space<vmem>>
    tpu.wait_dma2 semaphore(%dma_wait3A_548 : memref<!tpu.dma_semaphore, #tpu.memory_space<semaphore_mem>>) src(%dma_wait3A_552 : memref<16xf32, #tpu.memory_space<vmem>>) dst(%dma_wait3A_549 : memref<16xf32, #tpu.memory_space<hbm>>)
    %dma_wait3A_553 = arith.constant 14 : i32
    %dma_wait3A_554 = arith.constant 3 : i32
    %dma_wait3A_555 = arith.constant 0 : i32
    %dma_wait3A_556 = tpu.memref_slice %arg9[%dma_wait3A_553, %dma_wait3A_555] : memref<20x16xf32, #tpu.memory_space<vmem>> -> memref<1x16xf32, #tpu.memory_space<vmem>>
    %dma_wait3A_557 = tpu.memref_squeeze %dma_wait3A_556 : memref<1x16xf32, #tpu.memory_space<vmem>> -> memref<16xf32, #tpu.memory_space<vmem>>
    %dma_wait3A_558 = tpu.memref_slice %arg5[%add3A_302] : memref<10240xf32, #tpu.memory_space<hbm>> -> memref<16xf32, #tpu.memory_space<hbm>>
    %dma_wait3A_559 = tpu.memref_slice %arg13[%dma_wait3A_554] : memref<4x!tpu.dma_semaphore, #tpu.memory_space<semaphore_mem>> -> memref<1x!tpu.dma_semaphore, #tpu.memory_space<semaphore_mem>>
    %dma_wait3A_560 = tpu.memref_squeeze %dma_wait3A_559 : memref<1x!tpu.dma_semaphore, #tpu.memory_space<semaphore_mem>> -> memref<!tpu.dma_semaphore, #tpu.memory_space<semaphore_mem>>
    %dma_wait3A_561 = tpu.memref_slice %arg5[%add3A_302] : memref<10240xf32, #tpu.memory_space<hbm>> -> memref<16xf32, #tpu.memory_space<hbm>>
    %dma_wait3A_562 = arith.constant 0 : i32
    %dma_wait3A_563 = tpu.memref_slice %arg9[%dma_wait3A_553, %dma_wait3A_562] : memref<20x16xf32, #tpu.memory_space<vmem>> -> memref<1x16xf32, #tpu.memory_space<vmem>>
    %dma_wait3A_564 = tpu.memref_squeeze %dma_wait3A_563 : memref<1x16xf32, #tpu.memory_space<vmem>> -> memref<16xf32, #tpu.memory_space<vmem>>
    tpu.wait_dma2 semaphore(%dma_wait3A_560 : memref<!tpu.dma_semaphore, #tpu.memory_space<semaphore_mem>>) src(%dma_wait3A_564 : memref<16xf32, #tpu.memory_space<vmem>>) dst(%dma_wait3A_561 : memref<16xf32, #tpu.memory_space<hbm>>)
    %dma_wait3A_565 = arith.constant 15 : i32
    %dma_wait3A_566 = arith.constant 3 : i32
    %dma_wait3A_567 = arith.constant 0 : i32
    %dma_wait3A_568 = tpu.memref_slice %arg9[%dma_wait3A_565, %dma_wait3A_567] : memref<20x16xf32, #tpu.memory_space<vmem>> -> memref<1x16xf32, #tpu.memory_space<vmem>>
    %dma_wait3A_569 = tpu.memref_squeeze %dma_wait3A_568 : memref<1x16xf32, #tpu.memory_space<vmem>> -> memref<16xf32, #tpu.memory_space<vmem>>
    %dma_wait3A_570 = tpu.memref_slice %arg5[%add3A_316] : memref<10240xf32, #tpu.memory_space<hbm>> -> memref<16xf32, #tpu.memory_space<hbm>>
    %dma_wait3A_571 = tpu.memref_slice %arg13[%dma_wait3A_566] : memref<4x!tpu.dma_semaphore, #tpu.memory_space<semaphore_mem>> -> memref<1x!tpu.dma_semaphore, #tpu.memory_space<semaphore_mem>>
    %dma_wait3A_572 = tpu.memref_squeeze %dma_wait3A_571 : memref<1x!tpu.dma_semaphore, #tpu.memory_space<semaphore_mem>> -> memref<!tpu.dma_semaphore, #tpu.memory_space<semaphore_mem>>
    %dma_wait3A_573 = tpu.memref_slice %arg5[%add3A_316] : memref<10240xf32, #tpu.memory_space<hbm>> -> memref<16xf32, #tpu.memory_space<hbm>>
    %dma_wait3A_574 = arith.constant 0 : i32
    %dma_wait3A_575 = tpu.memref_slice %arg9[%dma_wait3A_565, %dma_wait3A_574] : memref<20x16xf32, #tpu.memory_space<vmem>> -> memref<1x16xf32, #tpu.memory_space<vmem>>
    %dma_wait3A_576 = tpu.memref_squeeze %dma_wait3A_575 : memref<1x16xf32, #tpu.memory_space<vmem>> -> memref<16xf32, #tpu.memory_space<vmem>>
    tpu.wait_dma2 semaphore(%dma_wait3A_572 : memref<!tpu.dma_semaphore, #tpu.memory_space<semaphore_mem>>) src(%dma_wait3A_576 : memref<16xf32, #tpu.memory_space<vmem>>) dst(%dma_wait3A_573 : memref<16xf32, #tpu.memory_space<hbm>>)
    %dma_wait3A_577 = arith.constant 16 : i32
    %dma_wait3A_578 = arith.constant 3 : i32
    %dma_wait3A_579 = arith.constant 0 : i32
    %dma_wait3A_580 = tpu.memref_slice %arg9[%dma_wait3A_577, %dma_wait3A_579] : memref<20x16xf32, #tpu.memory_space<vmem>> -> memref<1x16xf32, #tpu.memory_space<vmem>>
    %dma_wait3A_581 = tpu.memref_squeeze %dma_wait3A_580 : memref<1x16xf32, #tpu.memory_space<vmem>> -> memref<16xf32, #tpu.memory_space<vmem>>
    %dma_wait3A_582 = tpu.memref_slice %arg5[%add3A_330] : memref<10240xf32, #tpu.memory_space<hbm>> -> memref<16xf32, #tpu.memory_space<hbm>>
    %dma_wait3A_583 = tpu.memref_slice %arg13[%dma_wait3A_578] : memref<4x!tpu.dma_semaphore, #tpu.memory_space<semaphore_mem>> -> memref<1x!tpu.dma_semaphore, #tpu.memory_space<semaphore_mem>>
    %dma_wait3A_584 = tpu.memref_squeeze %dma_wait3A_583 : memref<1x!tpu.dma_semaphore, #tpu.memory_space<semaphore_mem>> -> memref<!tpu.dma_semaphore, #tpu.memory_space<semaphore_mem>>
    %dma_wait3A_585 = tpu.memref_slice %arg5[%add3A_330] : memref<10240xf32, #tpu.memory_space<hbm>> -> memref<16xf32, #tpu.memory_space<hbm>>
    %dma_wait3A_586 = arith.constant 0 : i32
    %dma_wait3A_587 = tpu.memref_slice %arg9[%dma_wait3A_577, %dma_wait3A_586] : memref<20x16xf32, #tpu.memory_space<vmem>> -> memref<1x16xf32, #tpu.memory_space<vmem>>
    %dma_wait3A_588 = tpu.memref_squeeze %dma_wait3A_587 : memref<1x16xf32, #tpu.memory_space<vmem>> -> memref<16xf32, #tpu.memory_space<vmem>>
    tpu.wait_dma2 semaphore(%dma_wait3A_584 : memref<!tpu.dma_semaphore, #tpu.memory_space<semaphore_mem>>) src(%dma_wait3A_588 : memref<16xf32, #tpu.memory_space<vmem>>) dst(%dma_wait3A_585 : memref<16xf32, #tpu.memory_space<hbm>>)
    %dma_wait3A_589 = arith.constant 17 : i32
    %dma_wait3A_590 = arith.constant 3 : i32
    %dma_wait3A_591 = arith.constant 0 : i32
    %dma_wait3A_592 = tpu.memref_slice %arg9[%dma_wait3A_589, %dma_wait3A_591] : memref<20x16xf32, #tpu.memory_space<vmem>> -> memref<1x16xf32, #tpu.memory_space<vmem>>
    %dma_wait3A_593 = tpu.memref_squeeze %dma_wait3A_592 : memref<1x16xf32, #tpu.memory_space<vmem>> -> memref<16xf32, #tpu.memory_space<vmem>>
    %dma_wait3A_594 = tpu.memref_slice %arg5[%add3A_344] : memref<10240xf32, #tpu.memory_space<hbm>> -> memref<16xf32, #tpu.memory_space<hbm>>
    %dma_wait3A_595 = tpu.memref_slice %arg13[%dma_wait3A_590] : memref<4x!tpu.dma_semaphore, #tpu.memory_space<semaphore_mem>> -> memref<1x!tpu.dma_semaphore, #tpu.memory_space<semaphore_mem>>
    %dma_wait3A_596 = tpu.memref_squeeze %dma_wait3A_595 : memref<1x!tpu.dma_semaphore, #tpu.memory_space<semaphore_mem>> -> memref<!tpu.dma_semaphore, #tpu.memory_space<semaphore_mem>>
    %dma_wait3A_597 = tpu.memref_slice %arg5[%add3A_344] : memref<10240xf32, #tpu.memory_space<hbm>> -> memref<16xf32, #tpu.memory_space<hbm>>
    %dma_wait3A_598 = arith.constant 0 : i32
    %dma_wait3A_599 = tpu.memref_slice %arg9[%dma_wait3A_589, %dma_wait3A_598] : memref<20x16xf32, #tpu.memory_space<vmem>> -> memref<1x16xf32, #tpu.memory_space<vmem>>
    %dma_wait3A_600 = tpu.memref_squeeze %dma_wait3A_599 : memref<1x16xf32, #tpu.memory_space<vmem>> -> memref<16xf32, #tpu.memory_space<vmem>>
    tpu.wait_dma2 semaphore(%dma_wait3A_596 : memref<!tpu.dma_semaphore, #tpu.memory_space<semaphore_mem>>) src(%dma_wait3A_600 : memref<16xf32, #tpu.memory_space<vmem>>) dst(%dma_wait3A_597 : memref<16xf32, #tpu.memory_space<hbm>>)
    %dma_wait3A_601 = arith.constant 18 : i32
    %dma_wait3A_602 = arith.constant 3 : i32
    %dma_wait3A_603 = arith.constant 0 : i32
    %dma_wait3A_604 = tpu.memref_slice %arg9[%dma_wait3A_601, %dma_wait3A_603] : memref<20x16xf32, #tpu.memory_space<vmem>> -> memref<1x16xf32, #tpu.memory_space<vmem>>
    %dma_wait3A_605 = tpu.memref_squeeze %dma_wait3A_604 : memref<1x16xf32, #tpu.memory_space<vmem>> -> memref<16xf32, #tpu.memory_space<vmem>>
    %dma_wait3A_606 = tpu.memref_slice %arg5[%add3A_358] : memref<10240xf32, #tpu.memory_space<hbm>> -> memref<16xf32, #tpu.memory_space<hbm>>
    %dma_wait3A_607 = tpu.memref_slice %arg13[%dma_wait3A_602] : memref<4x!tpu.dma_semaphore, #tpu.memory_space<semaphore_mem>> -> memref<1x!tpu.dma_semaphore, #tpu.memory_space<semaphore_mem>>
    %dma_wait3A_608 = tpu.memref_squeeze %dma_wait3A_607 : memref<1x!tpu.dma_semaphore, #tpu.memory_space<semaphore_mem>> -> memref<!tpu.dma_semaphore, #tpu.memory_space<semaphore_mem>>
    %dma_wait3A_609 = tpu.memref_slice %arg5[%add3A_358] : memref<10240xf32, #tpu.memory_space<hbm>> -> memref<16xf32, #tpu.memory_space<hbm>>
    %dma_wait3A_610 = arith.constant 0 : i32
    %dma_wait3A_611 = tpu.memref_slice %arg9[%dma_wait3A_601, %dma_wait3A_610] : memref<20x16xf32, #tpu.memory_space<vmem>> -> memref<1x16xf32, #tpu.memory_space<vmem>>
    %dma_wait3A_612 = tpu.memref_squeeze %dma_wait3A_611 : memref<1x16xf32, #tpu.memory_space<vmem>> -> memref<16xf32, #tpu.memory_space<vmem>>
    tpu.wait_dma2 semaphore(%dma_wait3A_608 : memref<!tpu.dma_semaphore, #tpu.memory_space<semaphore_mem>>) src(%dma_wait3A_612 : memref<16xf32, #tpu.memory_space<vmem>>) dst(%dma_wait3A_609 : memref<16xf32, #tpu.memory_space<hbm>>)
    %dma_wait3A_613 = arith.constant 19 : i32
    %dma_wait3A_614 = arith.constant 3 : i32
    %dma_wait3A_615 = arith.constant 0 : i32
    %dma_wait3A_616 = tpu.memref_slice %arg9[%dma_wait3A_613, %dma_wait3A_615] : memref<20x16xf32, #tpu.memory_space<vmem>> -> memref<1x16xf32, #tpu.memory_space<vmem>>
    %dma_wait3A_617 = tpu.memref_squeeze %dma_wait3A_616 : memref<1x16xf32, #tpu.memory_space<vmem>> -> memref<16xf32, #tpu.memory_space<vmem>>
    %dma_wait3A_618 = tpu.memref_slice %arg5[%add3A_372] : memref<10240xf32, #tpu.memory_space<hbm>> -> memref<16xf32, #tpu.memory_space<hbm>>
    %dma_wait3A_619 = tpu.memref_slice %arg13[%dma_wait3A_614] : memref<4x!tpu.dma_semaphore, #tpu.memory_space<semaphore_mem>> -> memref<1x!tpu.dma_semaphore, #tpu.memory_space<semaphore_mem>>
    %dma_wait3A_620 = tpu.memref_squeeze %dma_wait3A_619 : memref<1x!tpu.dma_semaphore, #tpu.memory_space<semaphore_mem>> -> memref<!tpu.dma_semaphore, #tpu.memory_space<semaphore_mem>>
    %dma_wait3A_621 = tpu.memref_slice %arg5[%add3A_372] : memref<10240xf32, #tpu.memory_space<hbm>> -> memref<16xf32, #tpu.memory_space<hbm>>
    %dma_wait3A_622 = arith.constant 0 : i32
    %dma_wait3A_623 = tpu.memref_slice %arg9[%dma_wait3A_613, %dma_wait3A_622] : memref<20x16xf32, #tpu.memory_space<vmem>> -> memref<1x16xf32, #tpu.memory_space<vmem>>
    %dma_wait3A_624 = tpu.memref_squeeze %dma_wait3A_623 : memref<1x16xf32, #tpu.memory_space<vmem>> -> memref<16xf32, #tpu.memory_space<vmem>>
    tpu.wait_dma2 semaphore(%dma_wait3A_620 : memref<!tpu.dma_semaphore, #tpu.memory_space<semaphore_mem>>) src(%dma_wait3A_624 : memref<16xf32, #tpu.memory_space<vmem>>) dst(%dma_wait3A_621 : memref<16xf32, #tpu.memory_space<hbm>>)
    return
  }
}

</mosaic_0001>

<sc_bundles>
// kernel: kernel.3.cloned.1.call-start
scs
__scs_entry_jumppad:
0x0: {  	(pc) =	sbr.rel $0x88, $3  }
0x1: {  	(tag) =	ssettag $0x0;
	lr =	simm.s32 $0x1  }
0x2: {  	[smem:$0x3F9E] =	sst lr;
	_ =	strace $0xD0000000  }
0x3: {  	_ = 	snop  }
0x4: {  	_ = 	snop  }
0x5: {  	_ = 	snop  }
0x6: {  	_ = 	snop  }
0x7: {  	_ = 	snop  }
__scs_overlays_trampoline_lowered:
0x8: {  	[smem:$0x3FAD] =	sst s0  }
0x9: {  	[smem:$0x3FAE] =	sst s1  }
0xa: {  	[smem:$0x3FAF] =	sst s2  }
0xb: {  	[smem:$0x3FB0] =	sst s3  }
0xc: {  	[smem:$0x3FB1] =	sst s4  }
0xd: {  	[smem:$0x3FB2] =	sst s5  }
0xe: {  	[smem:$0x3FB3] =	sst s6  }
0xf: {  	[smem:$0x3FB4] =	sst s7  }
0x10: {  	[smem:$0x3FB5] =	sst s8  }
0x11: {  	[smem:$0x3FB6] =	sst s9;
	s0 =	simm.s32 @!p0 $0x0  }
0x12: {  	s1 =	sld [smem:$0x3F9C];
	s0 =	simm.s32 @p0 $0x1  }
0x13: {  	[smem:$0x3FB7] =	sst s0;
	s0 =	simm.s32 @!p1 $0x0  }
0x14: {  	s2 =	sld [smem:$0x3F9B];
	s0 =	simm.s32 @p1 $0x1  }
0x15: {  	[smem:$0x3FB8] =	sst s0;
	s0 =	simm.s32 @!p2 $0x0  }
0x16: {  	s3 =	sld [smem:$0x3FDB];
	s0 =	simm.s32 @p2 $0x1  }
0x17: {  	s4 =	simm.s32 $0x1BF5;
	[smem:$0x3FBA] =	sst s0  }
0x18: {  	s0 =	sld [smem:$0x3F9D];
	_ =	swait.ge [sflag:s4], $0x0  }
0x19: {  	s7 =	sld [smem:$0x3F9E]  }
0x1a: {  	s8 =	sadd.s32 $0xFFFFE003, lr  }
0x1b: {  	s9 =	sadd.s32 $0xFFFFFEF7, lr;
	s5 =	simm.s32 $0xFFFFFFFF;
	p2 =	slt.u32 s8, $0xFFFFF086  }
0x1c: {  	p1 =	slt.u32 s9, $0xF7A;
	s5 =	simm.s32 @!p2 $0x0  }
0x1d: {  	s5 =	simm.s32 @p1 $0x1;
	p0 =	seq.s32 s7, s2  }
0x1e: {  	s7 =	smul.u32 @!p0 $0xF7A, s2;
	p2 =	seq.s32 @!p0 s5, $0x0  }
0x1f: {  	s9 =	smul.u32 $0xF7A, s1;
	s8 =	simm.s32 @!p0 $0x1BF5;
	p2 =	por !p2, p0  }
0x20: {  	[sflag:s8] =	ssyncset.s32 @!p0 $0xFFFFF086;
	s6 =	sadd.s32 @!p0 s3, s7;
	s7 =	simm.s32 @!p0 $0x108  }
0x21: {  	s3 =	sadd.s32 s3, s9;
	s6 =	sadd.s32 @!p0 $0x88, s6;
	s7 =	simm.s32 @p2 $0x1082  }
0x22: {  	[simem:s7], [sflag:s8] =	dma.local @!p0 [hbm:s6], $0xF7A  }
0x23: {  	s9 =	sor.u32 $0xD0000000, s2;
	s6 =	simm.s32 $0x108;
	_ =	swait.ge @!p0 [sflag:s8], $0x0  }
0x24: {  	s3 =	sadd.s32 $0x88, s3;
	s6 =	simm.s32 @!p1 $0x1082;
	[sflag:s4] =	ssyncset.s32 $0xFFFFF086  }
0x25: {  	[simem:s6], [sflag:s4] =	dma.local [hbm:s3], $0xF7A  }
0x26: {  	[smem:$0x3F9E] =	sst s1;
	(tag) =	ssettag s2;
	_ =	strace s9  }
0x27: {  	s1 =	sld [smem:$0x3FAE]  }
0x28: {  	s2 =	sld [smem:$0x3FAF]  }
0x29: {  	s4 =	sld [smem:$0x3FB1]  }
0x2a: {  	p0 =	seq.s32 s5, $0x0;
	s5 =	sld [smem:$0x3FB2]  }
0x2b: {  	s6 =	sld [smem:$0x3FB3]  }
0x2c: {  	s7 =	sld [smem:$0x3FB4]  }
0x2d: {  	s3 =	simm.s32 $0x108;
	s8 =	sld [smem:$0x3FB5]  }
0x2e: {  	s3 =	simm.s32 @!p0 $0x1082;
	s9 =	sld [smem:$0x3FB6]  }
0x2f: {  	lr =	sadd.s32 s0, s3;
	s0 =	sld [smem:$0x3FAD]  }
0x30: {  	s3 =	sld [smem:$0x3FB0]  }
0x31: {  	[smem:$0x3FB9] =	sst s10  }
0x32: {  	s10 =	sld [smem:$0x3FB7];
	_ =	sdelay $0x3  }
0x33: {  	p0 =	seq.s32 s10, $0x1;
	s10 =	sld [smem:$0x3FB9];
	_ =	sdelay $0x3  }
0x34: {  	[smem:$0x3FB9] =	sst s10  }
0x35: {  	s10 =	sld [smem:$0x3FB8];
	_ =	sdelay $0x3  }
0x36: {  	p1 =	seq.s32 s10, $0x1;
	s10 =	sld [smem:$0x3FB9];
	_ =	sdelay $0x3  }
0x37: {  	[smem:$0x3FB9] =	sst s10  }
0x38: {  	s10 =	sld [smem:$0x3FBA]  }
0x39: {  	_ = 	snop;
	(pc) =	sbr.ind lr, $3  }
0x3a: {  	_ = 	snop  }
0x3b: {  	_ = 	snop  }
0x3c: {  	p2 =	seq.s32 s10, $0x1;
	s10 =	sld [smem:$0x3FB9]  }
0x3d: {  	_ =	shalt  }
0x3e: {  	_ =	shalt  }
0x3f: {  	_ =	shalt  }
0x40: {  	_ =	shalt  }
0x41: {  	_ =	shalt  }
0x42: {  	_ =	shalt  }
0x43: {  	_ =	shalt  }
0x44: {  	_ =	shalt  }
0x45: {  	_ =	shalt  }
0x46: {  	_ =	shalt  }
0x47: {  	_ =	shalt  }
0x48: {  	_ =	shalt  }
0x49: {  	_ =	shalt  }
0x4a: {  	_ =	shalt  }
0x4b: {  	_ =	shalt  }
0x4c: {  	_ =	shalt  }
0x4d: {  	_ =	shalt  }
0x4e: {  	_ =	shalt  }
0x4f: {  	_ =	shalt  }
0x50: {  	_ =	shalt  }
0x51: {  	_ =	shalt  }
0x52: {  	_ =	shalt  }
0x53: {  	_ =	shalt  }
0x54: {  	_ =	shalt  }
0x55: {  	_ =	shalt  }
0x56: {  	_ =	shalt  }
0x57: {  	_ =	shalt  }
0x58: {  	_ =	shalt  }
0x59: {  	_ =	shalt  }
0x5a: {  	_ =	shalt  }
0x5b: {  	_ =	shalt  }
0x5c: {  	_ =	shalt  }
0x5d: {  	_ =	shalt  }
0x5e: {  	_ =	shalt  }
0x5f: {  	_ =	shalt  }
0x60: {  	_ =	shalt  }
0x61: {  	_ =	shalt  }
0x62: {  	_ =	shalt  }
0x63: {  	_ =	shalt  }
0x64: {  	_ =	shalt  }
0x65: {  	_ =	shalt  }
0x66: {  	_ =	shalt  }
0x67: {  	_ =	shalt  }
0x68: {  	_ =	shalt  }
0x69: {  	_ =	shalt  }
0x6a: {  	_ =	shalt  }
0x6b: {  	_ =	shalt  }
0x6c: {  	_ =	shalt  }
0x6d: {  	_ =	shalt  }
0x6e: {  	_ =	shalt  }
0x6f: {  	_ =	shalt  }
0x70: {  	_ =	shalt  }
0x71: {  	_ =	shalt  }
0x72: {  	_ =	shalt  }
0x73: {  	_ =	shalt  }
0x74: {  	_ =	shalt  }
0x75: {  	_ =	shalt  }
0x76: {  	_ =	shalt  }
0x77: {  	_ =	shalt  }
0x78: {  	_ =	shalt  }
0x79: {  	_ =	shalt  }
0x7a: {  	_ =	shalt  }
0x7b: {  	_ =	shalt  }
0x7c: {  	_ =	shalt  }
0x7d: {  	_ =	shalt  }
0x7e: {  	_ =	shalt  }
0x7f: {  	_ =	shalt  }
0x80: {  	_ =	shalt  }
0x81: {  	_ =	shalt  }
0x82: {  	_ =	shalt  }
0x83: {  	_ =	shalt  }
0x84: {  	_ =	shalt  }
0x85: {  	_ =	shalt  }
0x86: {  	_ =	shalt  }
0x87: {  	_ =	shalt  }
.Lfunc_end0:
.L_simem_size_0:
called_computation_lowered:
.L_overlay_start_0:
0x88: {  	s2 =	sld [smem:$0x3FD9]  }
0x89: {  	s3 =	sld [smem:$0x3FFE];
	_ =	sdelay $0x1  }
0x8a: {  	s1 =	srdreg.scid  }
0x8b: {  	s0 =	sand.u32 $0x1, s1  }
0x8c: {  	s17 =	sshll.u32 s0, $0xA;
	s2 =	sadd.s32 s3, s2  }
0x8d: {  	s2 =	sadd.s32 s2, s17  }
0x8e: {  	[smem:$0x3FC5] =	sst s2  }
0x8f: {  	_ = 	snop  }
0x90: {  	s2 =	sld [smem:$0x3FC9]  }
0x91: {  	s18 =	sld [smem:$0x3FC8]  }
0x92: {  	s4 =	sld [smem:$0x3FD0];
	(tm) =	ssettm $0x1  }
0x93: {  	s5 =	sld [smem:$0x3FFB];
	_ =	sdelay $0x3  }
0x94: {  	_ =	strace s5  }
0x95: {  	s5 =	sld [smem:$0x3FFC];
	_ =	sdelay $0x3  }
0x96: {  	_ =	strace s5  }
0x97: {  	s5 =	sld [smem:$0x3FFD];
	_ =	sdelay $0x3  }
0x98: {  	_ =	strace s5  }
0x99: {  	_ =	strace $0x8FFFFFFF  }
0x9a: {  	s19 =	sld [smem:$0x3FDB];
	_ =	sdelay $0x1  }
0x9b: {  	s6 =	simm.s32 $_scs_section_size  }
0x9c: {  	s7 =	simm.s32 $_size__tile_overlayer_lowered;
	s8 =	simm.s32 $_tile_overlayer_lowered  }
0x9d: {  	s22 =	simm.s32 $0x1BFF;
	s21 =	sshll.u32 s8, $0x1;
	s5 =	sadd.s32 s6, s19  }
0x9e: {  	s9 =	simm.s32 $0x0;
	s20 =	sshll.u32 s7, $0x1;
	s7 =	sadd.s32 s21, s5  }
0x9f: {  	[timem:s9], [sflag:s22] =	dma.local [hbm:s7], s20  }
0xa0: {  	_ =	swait.ge [sflag:s22], s20  }
0xa1: {  	s6 =	ssub.s32 $0x0, s20;
	[sflag:s22] =	ssyncset.done $0x0  }
0xa2: {  	[sflag:s22] =	ssyncadd.s32 s6;
	_ =	sdelay $0x1  }
0xa3: {  	s23 =	simm.s32 $0x1B8B  }
0xa4: {  	_ =	swait.ge [sflag:s23], $0x1  }
0xa5: {  	[sflag:s23] =	ssyncset.done $0x0  }
0xa6: {  	s25 =	simm.s32 $0x1B8E;
	s24 =	sld [smem:$0x3FFE];
	[sflag:s23] =	ssyncadd.s32 $0xFFFFFFFF  }
0xa7: {  	s26 =	simm.s32 $execute0_lowered;
	[smem:$0x3FD2] =	sst s25  }
0xa8: {  	s7 =	sshll.u32 s26, $0x1;
	_ =	strace $0x80000046;
	[dreg:$0x1] =	wrdreg $0xFFFFFFFF  }
0xa9: {  	s28 =	simm.s32 $_size_execute0_lowered;
	s5 =	sadd.s32 s5, s7;
	[dreg:$0x0] =	wrdreg $0x0  }
0xaa: {  	s7 =	sshll.u32 s28, $0x1;
	[dreg:$0x2] =	wrdreg s5  }
0xab: {  	[dreg:$0x3] =	wrdreg s7  }
0xac: {  	[dreg:$0x4] =	wrdreg $0xC0  }
0xad: {  	_ =	task [dreg:s9], $0x5FFFF  }
0xae: {  	[dreg:$0x1] =	wrdreg $0xFFFFFFFF  }
0xaf: {  	[dreg:$0x0] =	wrdreg $0x60  }
0xb0: {  	[dreg:$0x2] =	wrdreg s2  }
0xb1: {  	[dreg:$0x3] =	wrdreg s18  }
0xb2: {  	[dreg:$0x4] =	wrdreg s24  }
0xb3: {  	[dreg:$0x5] =	wrdreg s4  }
0xb4: {  	[dreg:$0x6] =	wrdreg $0x9  }
0xb5: {  	_ =	task.clear_ibuf [dreg:s9], $0x7FFFF;
	_ =	strace $0x90000046  }
0xb6: {  	s29 =	simm.s32 $0x9;
	_ =	strace $0x80000048  }
0xb7: {  	_ =	swait.ge [sflag:s29], $0x1  }
0xb8: {  	[sflag:s29] =	ssyncadd.s32 $0xFFFFFFFF  }
0xb9: {  	_ =	strace $0x90000048  }
0xba: {  	_ =	sfence  }
0xbb: {  	s30 =	sld [smem:$0x0];
	_ =	sdelay $0x2  }
0xbc: {  	s31 =	sshll.u32 s1, $0xD;
	s1 =	sshrl.u32 s1, $0x2  }
0xbd: {  	s3 =	sand.u32 $0x4000, s31;
	s1 =	sadd.s32 s1, s30  }
0xbe: {  	s0 =	sor.u32 s3, s0;
	s1 =	sshll.u32 s1, $0x11  }
0xbf: {  	s0 =	sor.u32 s1, s0  }
0xc0: {  	s0 =	sadd.s32 $0x8F2B, s0  }
0xc1: {  	[sflag:s0] =	ssyncadd.remote.s32 $0x1  }
0xc2: {  	_ =	sfence.sel $0xFFFF  }
0xc3: {  	[dreg:$0x0] =	wrdreg $0xFFFFFFFF;
	(pc) =	sbr.abs _section_cstart, $3  }
0xc4: {  	[dreg:$0x1] =	wrdreg $0xFFFFFFFF  }
0xc5: {  	_ =	task.clear_ibuf [dreg:s9], $0x2FFFF;
	_ =	strace $0x9FFFFFFF  }
0xc6: {  	(tm) =	ssettm $0x7FFFFFFF  }
0xc7: {  	_ =	shalt  }
tec
execute0_lowered:
.L_overlay_start_1:
0x0: {  	(tag) =	ssettag $0x1  }
0x1: {  	s0 =	rddreg [dreg:$0x0]  }
0x2: {  	s2 =	rddreg [dreg:$0x1]  }
0x3: {  	s3 =	rddreg [dreg:$0x2]  }
0x4: {  	s5 =	rddreg [dreg:$0x3];
	s1 =	simm.s32 $0x0  }
0x5: {  	s4 =	srdreg.scid;
	s8 =	stileid.u32;
	s30 =	simm.s32 $0x1000  }
0x6: {  	s29 =	simm.s32 $0x1;
	s31 =	simm.s32 $0x2;
	s10 =	simm.s32 $0x0  }
0x7: {  	[smem:$0x7FF] =	sst s1;
	s4 =	sand.u32 $0x1, s4;
	s3 =	sadd.s32 $0x200, s3  }
0x8: {  	s7 =	sshll.u32 s8, $0x1;
	s18 =	sshll.u32 s8, $0x5;
	s8 =	simm.s32 $0xE00  }
0x9: {  	_ =	strace $0x80000047;
	s6 =	ssub.s32 $0x2, s4;
	s4 =	sor.u32 s4, s7  }
0xa: {  	[dreg:$0x5] =	wrdreg s3;
	s17 =	sshrl.u32 s6, $0x1;
	s7 =	sshll.u32 s4, $0x4  }
0xb: {  	s19 =	sshll.u32 s4, $0x1;
	s3 =	ssub.s32 s6, s17;
	s6 =	sand.u32 $0x180, s18  }
0xc: {  	s9 =	sand.u32 $0x70, s7;
	s5 =	sadd.s32 s5, s19;
	s20 =	sadd.s32 s2, s19  }
0xd: {  	s2 =	simm.s32 $0xC80;
	s7 =	simm.s32 $0xA200;
	s4 =	sadd.s32 s0, s6  }
0xe: {  	[dreg:$0x7] =	wrdreg s20;
	s21 =	sadd.s32 $0x40, s5;
	s22 =	sadd.s32 $0x80, s5  }
0xf: {  	s23 =	sadd.s32 $0xC0, s5;
	s24 =	sadd.s32 $0x100, s5;
	s25 =	sadd.s32 $0x140, s5  }
0x10: {  	s26 =	sadd.s32 $0x180, s5;
	s14 =	sadd.s32 $0x1C0, s5;
	[dreg:$0x8] =	wrdreg s21  }
0x11: {  	s15 =	sadd.s32 $0x200, s5;
	s16 =	sadd.s32 $0x240, s5;
	[dreg:$0x9] =	wrdreg s22  }
0x12: {  	s17 =	sadd.s32 $0x280, s5;
	s18 =	sadd.s32 $0x2C0, s5;
	[dreg:$0xa] =	wrdreg s23  }
0x13: {  	s19 =	sadd.s32 $0x300, s5;
	s20 =	sadd.s32 $0x340, s5;
	[dreg:$0xb] =	wrdreg s24  }
0x14: {  	v0 =	vlaneseq.u32;
	s28 =	sadd.s32 $0x4C0, s5;
	s6 =	simm.s32 $0x9A00;
	[dreg:$0xc] =	wrdreg s25  }
0x15: {  	v1 =	vor.u32 s9, v0;
	s9 =	simm.s32 $0x4;
	s0 =	sadd.s32 $0x400, s4;
	[dreg:$0xd] =	wrdreg s26  }
0x16: {  	s21 =	sadd.s32 $0x380, s5;
	s22 =	sadd.s32 $0x3C0, s5;
	s23 =	sadd.s32 $0x400, s5  }
0x17: {  	s24 =	smax.u32 s3, $0x1;
	s25 =	sadd.s32 $0x440, s5;
	s26 =	sadd.s32 $0x480, s5  }
0x18: {  	s3 =	simm.s32 $0x1A00;
	[dreg:$0x6] =	wrdreg s0;
	s0 =	simm.s32 $0x3  }
.LBB2_1:
0x19: {  	s11 =	simm.s32 $0x400  }
0x1a: {  	[tilespmem:s1], [sflag:$0x1] =	stream.strided.gather [hbm4b:s4+s11], $0x800, s30, s11, $0x38;
	[tilespmem:$0xAA00] =	vst v63  }
0x1b: {  	s13 =	rddreg [dreg:$0x6];
	s12 =	simm.s32 $0x800  }
0x1c: {  	[tilespmem:s12], [sflag:$0x1] =	stream.linear.gather [hbm4b:s13+s1], $0x200, $0x38;
	[tilespmem:$0xAA00] =	vst v63  }
0x1d: {  	s12 =	rddreg [dreg:$0x7];
	s13 =	simm.s32 $0xC00  }
0x1e: {  	[tilespmem:s13], [sflag:$0x2] =	stream.linear.gather [hbm4b:s12+s1], $0x10, $0x38;
	[tilespmem:$0xAA00] =	vst v63  }
0x1f: {  	s13 =	rddreg [dreg:$0x5]  }
0x20: {  	[tilespmem:s2], [sflag:$0x3] =	stream.linear.gather [hbm4b:s13+s1], $0x180, $0x38;
	[tilespmem:$0xAA00] =	vst v63  }
0x21: {  	_ =	swait.ge [sflag:s29], $0xA00  }
0x22: {  	[sflag:s29] =	ssyncset.done $0x0  }
0x23: {  	[sflag:s29] =	ssyncadd.s32 $0xFFFFF600  }
0x24: {  	_ =	swait.ge [sflag:s31], $0x10  }
0x25: {  	[sflag:s31] =	ssyncset.done $0x0  }
0x26: {  	[sflag:s31] =	ssyncadd.s32 $0xFFFFFFF0  }
0x27: {  	_ =	swait.ge [sflag:s0], $0x180  }
0x28: {  	[sflag:s0] =	ssyncset.done $0x0  }
0x29: {  	[sflag:s0] =	ssyncadd.s32 $0xFFFFFE80  }
0x2a: {  	v4 =	vmov s1;
	v2 =	vld [tilespmem:$0xD80]  }
0x2b: {  	v3 =	vshll.u32 v4, $0x7  }
0x2c: {  	v3 =	vor.u32 v1, v3;
	_ =	sdelay $0x1  }
0x2d: {  	vm0 =	veq.s32 v0, $0x0  }
0x2e: {  	v2 =	vsel vm0, $0x0, v2  }
0x2f: {  	[tilespmem:$0xD80] =	vst v2  }
0x30: {  	v5 =	vld.idx.msk [tilespmem:v3+s1+$0x0], $0xffff;
	_ =	sdelay $0x4  }
0x31: {  	v6 =	vshra.s32 v5, $0x4;
	v7 =	vshll.u32 v5, $0x7  }
0x32: {  	s12 =	simm.s32 $0x1;
	v7 =	vor.u32 v0, v7;
	v8 =	vshll.u32 v6, $0x7  }
0x33: {  	v3 =	vmov s12;
	v8 =	vor.u32 v0, v8  }
0x34: {  	v9 =	vshll.u32 v3, $0x7  }
0x35: {  	v9 =	vor.u32 v1, v9;
	_ =	sdelay $0x1  }
0x36: {  	[tilespmem:v7+s3+$0x0] =	vst.idx.msk $0xffff, v4  }
0x37: {  	[tilespmem:v8+s6+$0x0] =	vst.idx.msk $0xffff, v4;
	v8 =	vadd.s32 $0x11, v5  }
0x38: {  	v7 =	vadd.s32 $0x1, v6  }
0x39: {  	v4 =	vld.idx.msk [tilespmem:v9+s1+$0x0], $0xffff;
	_ =	sdelay $0x2  }
0x3a: {  	v8 =	vld.idx.msk [tilespmem:v8+s2+$0x0], $0xffff  }
0x3b: {  	s13 =	simm.s32 $0x2;
	v5 =	vld.idx.msk [tilespmem:v7+s2+$0x0], $0xffff  }
0x3c: {  	v2 =	vimm.f32 $-Inf;
	v6 =	vmov s13;
	v9 =	vshll.u32 v4, $0x7  }
0x3d: {  	v12 =	vshra.s32 v4, $0x4;
	v7 =	vadd.s32 $0x11, v4;
	v4 =	vimm.f32 $-Inf  }
0x3e: {  	s11 =	simm.s32 $0x3;
	v10 =	vor.u32 v0, v9;
	v11 =	vshll.u32 v12, $0x7;
	v9 =	vadd.s32 $0x1, v12  }
.LBB2_2:
0x3f: {  	p0 =	seq.s32 s11, $0x13;
	v12 =	vshll.u32 v6, $0x7;
	v11 =	vor.u32 v0, v11;
	v2 =	vmax.f32 v2, v8  }
0x40: {  	v4 =	vmax.f32 v4, v5;
	v8 =	vor.u32 v1, v12;
	_ =	sdelay $0x2  }
0x41: {  	[tilespmem:v10+s3+$0x0] =	vst.idx.msk $0xffff, v3  }
0x42: {  	[tilespmem:v11+s6+$0x0] =	vst.idx.msk $0xffff, v3;
	v3 =	vmov v6  }
0x43: {  	v10 =	vld.idx.msk [tilespmem:v8+s1+$0x0], $0xffff  }
0x44: {  	v5 =	vld.idx.msk [tilespmem:v9+s2+$0x0], $0xffff  }
0x45: {  	v8 =	vld.idx.msk [tilespmem:v7+s2+$0x0], $0xffff  }
.Ltmp0:
0x46: {  	(pc) =	sbr.rel @!p0 .LBB2_2-.Ltmp0, $4  }
0x47: {  	_ = 	snop  }
0x48: {  	v6 =	vmov s11  }
0x49: {  	v9 =	vshra.s32 v10, $0x4;
	v11 =	vshll.u32 v10, $0x7;
	v7 =	vadd.s32 $0x11, v10  }
0x4a: {  	s11 =	sadd.s32 $0x1, s11;
	v10 =	vor.u32 v0, v11;
	v11 =	vshll.u32 v9, $0x7;
	v9 =	vadd.s32 $0x1, v9  }
0x4b: {  	v12 =	vshll.u32 v6, $0x7;
	v11 =	vor.u32 v0, v11  }
0x4c: {  	v12 =	vor.u32 v1, v12;
	_ =	sdelay $0x2  }
0x4d: {  	[tilespmem:v10+s3+$0x0] =	vst.idx.msk $0xffff, v3  }
0x4e: {  	[tilespmem:v11+s6+$0x0] =	vst.idx.msk $0xffff, v3  }
0x4f: {  	v3 =	vld.idx.msk [tilespmem:v12+s1+$0x0], $0xffff;
	_ =	sdelay $0x4  }
0x50: {  	v61 =	vshra.s32 v3, $0x4;
	v62 =	vshll.u32 v3, $0x7  }
0x51: {  	v11 =	vor.u32 v0, v62;
	v63 =	vshll.u32 v61, $0x7  }
0x52: {  	v12 =	vor.u32 v0, v63  }
0x53: {  	v10 =	vadd.s32 $0x1, v61  }
0x54: {  	v3 =	vadd.s32 $0x11, v3  }
0x55: {  	v9 =	vld.idx.msk [tilespmem:v9+s2+$0x0], $0xffff  }
0x56: {  	v7 =	vld.idx.msk [tilespmem:v7+s2+$0x0], $0xffff;
	[tilespmem:v11+s3+$0x0] =	vst.idx.msk $0xffff, v6  }
0x57: {  	[tilespmem:v12+s6+$0x0] =	vst.idx.msk $0xffff, v6  }
0x58: {  	v4 =	vmax.f32 v4, v5;
	v5 =	vimm.f32 $0.0e+00;
	v6 =	vld.idx.msk [tilespmem:v10+s2+$0x0], $0xffff  }
0x59: {  	v3 =	vld.idx.msk [tilespmem:v3+s2+$0x0], $0xffff;
	[tilespmem:$0xA200] =	vst v5  }
0x5a: {  	[tilespmem:$0xA280] =	vst v5  }
0x5b: {  	[tilespmem:$0xA300] =	vst v5  }
0x5c: {  	[tilespmem:$0xA380] =	vst v5  }
0x5d: {  	[tilespmem:$0xA400] =	vst v5  }
0x5e: {  	[tilespmem:$0xA480] =	vst v5  }
0x5f: {  	[tilespmem:$0xA500] =	vst v5  }
0x60: {  	v2 =	vmax.f32 v2, v8;
	[tilespmem:$0xA580] =	vst v5  }
0x61: {  	s12 =	simm.s32 $0x0;
	v2 =	vmax.f32 v2, v7;
	v4 =	vmax.f32 v4, v9;
	[tilespmem:$0xA600] =	vst v5  }
0x62: {  	[tilespmem:$0xA680] =	vst v5;
	v2 =	vmax.f32 v2, v3;
	v3 =	vmax.f32 v4, v6;
	v4 =	vmov s12  }
0x63: {  	[tilespmem:$0xA700] =	vst v5;
	v4 =	vshll.u32 v4, $0x7  }
0x64: {  	[tilespmem:$0xA780] =	vst v5;
	v4 =	vor.u32 v1, v4  }
0x65: {  	[tilespmem:$0xA800] =	vst v5  }
0x66: {  	[tilespmem:$0xA880] =	vst v5  }
0x67: {  	[tilespmem:$0xA900] =	vst v5  }
0x68: {  	[tilespmem:$0xA980] =	vst v5  }
0x69: {  	v4 =	vld.idx.msk [tilespmem:v4+s1+$0x0], $0xffff;
	_ =	sdelay $0x4  }
0x6a: {  	v6 =	vadd.s32 $0x11, v4;
	_ =	sdelay $0x4  }
0x6b: {  	v6 =	vld.idx.msk [tilespmem:v6+s2+$0x0], $0xffff;
	_ =	sdelay $0x4  }
0x6c: {  	v6 =	vsub.f32 v6, v2;
	_ =	sdelay $0x1  }
0x6d: {  	v7 =	vshll.u32 v4, $0x7;
	v6 =	vmul.f32 $1.442695020e+00, v6  }
0x6e: {  	v7 =	vor.u32 v0, v7  }
0x6f: {  	(erf) = vpow2.f32 v6;
	_ =	sdelay $0x2  }
0x70: {  	v8 =	vshra.s32 v4, $0x4  }
0x71: {  	s13 =	simm.s32 $0x1;
	s11 =	simm.s32 $0x2;
	v4 =	vld.idx.msk [tilespmem:v7+s3+$0x0], $0xffff;
	v7 =	vshll.u32 v8, $0x7;
	v6 =	vadd.s32 $0x1, v8  }
.LBB2_4:
0x72: {  	p0 =	sne.s32 s11, $0x13;
	v8 =	vmov s13;
	v7 =	vor.u32 v0, v7  }
0x73: {  	v8 =	vshll.u32 v8, $0x7  }
0x74: {  	v8 =	vor.u32 v1, v8;
	_ =	sdelay $0x1  }
0x75: {  	vm0 =	veq.s32 v4, s12;
	v6 =	vld.idx.msk [tilespmem:v6+s2+$0x0], $0xffff;
	v4 =	vpop (erf)  }
0x76: {  	v9 =	vld.idx.msk [tilespmem:v7+s6+$0x0], $0xffff;
	v4 =	vnsel vm0, $0x0, v4  }
0x77: {  	[tilespmem:v7+s7+$0x0] =	vst.idx.add.f32.msk $0xffff, v4  }
0x78: {  	v4 =	vld.idx.msk [tilespmem:v8+s1+$0x0], $0xffff;
	_ =	sdelay $0x2  }
0x79: {  	v6 =	vsub.f32 v6, v3  }
0x7a: {  	vm0 =	veq.s32 v9, s12;
	s12 =	smov.u32 s13;
	s13 =	smov.u32 s11  }
0x7b: {  	v6 =	vmul.f32 $1.442695020e+00, v6  }
0x7c: {  	v7 =	vadd.s32 $0x11, v4  }
0x7d: {  	(erf) = vpow2.f32 v6;
	_ =	sdelay $0x3  }
0x7e: {  	v6 =	vld.idx.msk [tilespmem:v7+s2+$0x0], $0xffff;
	_ =	sdelay $0x4  }
0x7f: {  	v7 =	vpop (erf)  }
0x80: {  	v6 =	vsub.f32 v6, v2;
	v7 =	vnsel vm0, $0x0, v7  }
0x81: {  	v8 =	vshll.u32 v4, $0x7;
	v5 =	vadd.f32 v7, v5  }
0x82: {  	v7 =	vor.u32 v0, v8;
	v6 =	vmul.f32 $1.442695020e+00, v6;
	_ =	sdelay $0x1  }
.Ltmp1:
0x83: {  	(erf) = vpow2.f32 v6;
	(pc) =	sbr.rel @p0 .LBB2_4-.Ltmp1, $3  }
0x84: {  	_ =	sdelay $0x1  }
0x85: {  	v8 =	vshra.s32 v4, $0x4;
	v4 =	vld.idx.msk [tilespmem:v7+s3+$0x0], $0xffff  }
0x86: {  	s11 =	sadd.s32 $0x1, s11;
	v6 =	vadd.s32 $0x1, v8;
	v7 =	vshll.u32 v8, $0x7  }
0x87: {  	v8 =	vmov s13;
	v7 =	vor.u32 v0, v7  }
0x88: {  	v8 =	vshll.u32 v8, $0x7  }
0x89: {  	v8 =	vor.u32 v1, v8;
	_ =	sdelay $0x1  }
0x8a: {  	v6 =	vld.idx.msk [tilespmem:v6+s2+$0x0], $0xffff;
	vm0 =	veq.s32 v4, s12;
	v4 =	vpop (erf)  }
0x8b: {  	v9 =	vld.idx.msk [tilespmem:v7+s6+$0x0], $0xffff;
	v4 =	vnsel vm0, $0x0, v4  }
0x8c: {  	[tilespmem:v7+s7+$0x0] =	vst.idx.add.f32.msk $0xffff, v4  }
0x8d: {  	v4 =	vld.idx.msk [tilespmem:v8+s1+$0x0], $0xffff;
	_ =	sdelay $0x4  }
0x8e: {  	v7 =	vadd.s32 $0x11, v4;
	_ =	sdelay $0x4  }
0x8f: {  	v7 =	vld.idx.msk [tilespmem:v7+s2+$0x0], $0xffff;
	_ =	sdelay $0x3  }
0x90: {  	v6 =	vsub.f32 v6, v3  }
0x91: {  	v7 =	vsub.f32 v7, v2  }
0x92: {  	v6 =	vmul.f32 $1.442695020e+00, v6  }
0x93: {  	v8 =	vshll.u32 v4, $0x7;
	v7 =	vmul.f32 $1.442695020e+00, v7  }
0x94: {  	(erf) = vpow2.f32 v6;
	v6 =	vor.u32 v0, v8  }
0x95: {  	(erf) = vpow2.f32 v7  }
0x96: {  	v4 =	vshra.s32 v4, $0x4  }
0x97: {  	v7 =	vadd.s32 $0x1, v4;
	_ =	sdelay $0x1  }
0x98: {  	s11 =	simm.s32 $0x0;
	v6 =	vld.idx.msk [tilespmem:v6+s3+$0x0], $0xffff;
	v4 =	vshll.u32 v4, $0x7  }
0x99: {  	v8 =	vor.u32 v0, v4;
	v4 =	vmov s11  }
0x9a: {  	v4 =	vshll.u32 v4, $0x7  }
0x9b: {  	v10 =	vor.u32 v1, v4;
	v7 =	vld.idx.msk [tilespmem:v7+s2+$0x0], $0xffff  }
0x9c: {  	v11 =	vpop (erf)  }
0x9d: {  	vm13 =	veq.s32 v6, s13;
	v6 =	vpop (erf)  }
0x9e: {  	v12 =	vld.idx.msk [tilespmem:v8+s6+$0x0], $0xffff;
	v6 =	vnsel vm13, $0x0, v6  }
0x9f: {  	[tilespmem:v8+s7+$0x0] =	vst.idx.add.f32.msk $0xffff, v6  }
0xa0: {  	v6 =	vsub.f32 v7, v3;
	v7 =	vld.idx.msk [tilespmem:v10+s1+$0x0], $0xffff;
	_ =	sdelay $0x1  }
0xa1: {  	v6 =	vmul.f32 $1.442695020e+00, v6;
	_ =	sdelay $0x1  }
0xa2: {  	(erf) = vpow2.f32 v6  }
0xa3: {  	v6 =	vshra.s32 v7, $0x4  }
0xa4: {  	v8 =	vshll.u32 v6, $0x7  }
0xa5: {  	v8 =	vor.u32 v0, v8;
	_ =	sdelay $0x1  }
0xa6: {  	vm14 =	veq.s32 v9, s12  }
0xa7: {  	v9 =	vnsel vm14, $0x0, v11;
	_ =	sdelay $0x1  }
0xa8: {  	v8 =	vld.idx.msk [tilespmem:v8+s7+$0x0], $0xffff  }
0xa9: {  	v5 =	vadd.f32 v9, v5;
	vm15 =	veq.s32 v12, s13;
	v9 =	vpop (erf)  }
0xaa: {  	v9 =	vnsel vm15, $0x0, v9  }
0xab: {  	v5 =	vadd.f32 v9, v5;
	_ =	sdelay $0x1  }
0xac: {  	v8 =	vmul.f32 v8, v5;
	_ =	sdelay $0x1  }
0xad: {  	v9 =	vcvt.s32.f32 v8;
	_ =	sdelay $0x1  }
0xae: {  	v9 =	vmul.f32 $8.262958320e-08, v9;
	_ =	sdelay $0x1  }
0xaf: {  	v9 =	vadd.f32 $-8.798997490e+01, v9;
	_ =	sdelay $0x1  }
0xb0: {  	v10 =	vsub.f32 $0.0e+00, v9;
	_ =	sdelay $0x1  }
0xb1: {  	v10 =	vmul.f32 $1.442695020e+00, v10;
	_ =	sdelay $0x1  }
0xb2: {  	(erf) = vpow2.f32 v10;
	_ =	sdelay $0x8  }
0xb3: {  	v10 =	vpop (erf)  }
0xb4: {  	v10 =	vmul.f32 v10, v8;
	_ =	sdelay $0x1  }
0xb5: {  	v9 =	vadd.f32 v10, v9;
	_ =	sdelay $0x1  }
0xb6: {  	v9 =	vadd.f32 $-1.000000000e+00, v9;
	_ =	sdelay $0x1  }
0xb7: {  	v10 =	vsub.f32 $0.0e+00, v9;
	_ =	sdelay $0x1  }
0xb8: {  	v10 =	vmul.f32 $1.442695020e+00, v10;
	_ =	sdelay $0x1  }
0xb9: {  	(erf) = vpow2.f32 v10  }
0xba: {  	v7 =	vadd.s32 $0x11, v7  }
0xbb: {  	v6 =	vadd.s32 $0x1, v6;
	_ =	sdelay $0x3  }
0xbc: {  	v7 =	vld.idx.msk [tilespmem:v7+s2+$0x0], $0xffff  }
0xbd: {  	v6 =	vld.idx.msk [tilespmem:v6+s2+$0x0], $0xffff;
	_ =	sdelay $0x1  }
0xbe: {  	v10 =	vpop (erf)  }
0xbf: {  	v8 =	vmul.f32 v10, v8  }
0xc0: {  	s12 =	simm.s32 $0x1;
	v3 =	vadd.f32 v3, v2  }
0xc1: {  	v2 =	vld [tilespmem:$0xC00];
	v7 =	vadd.f32 v6, v7;
	v10 =	vmov s12;
	v8 =	vadd.f32 v8, v9  }
0xc2: {  	s13 =	simm.s32 $0x2;
	v6 =	vshll.u32 v10, $0x7  }
.LBB2_6:
0xc3: {  	p0 =	sne.s32 s13, $0x13;
	v7 =	vsub.f32 v7, v3;
	v8 =	vadd.f32 $-1.000000000e+00, v8;
	v9 =	vor.u32 v0, v4;
	v4 =	vmovc v6  }
0xc4: {  	v6 =	vor.u32 v1, v4  }
0xc5: {  	v7 =	vsub.f32 v7, v8  }
0xc6: {  	vm0 =	vgt.s32 v2, s11;
	s11 =	smov.u32 s12;
	s12 =	smov.u32 s13  }
0xc7: {  	v7 =	vnsel vm0, $0xFF800000, v7  }
0xc8: {  	[tilespmem:v9+s8+$0x0] =	vst.idx.msk $0xffff, v7  }
0xc9: {  	v6 =	vld.idx.msk [tilespmem:v6+s1+$0x0], $0xffff;
	_ =	sdelay $0x5  }
0xca: {  	v7 =	vshra.s32 v6, $0x4  }
0xcb: {  	v8 =	vshll.u32 v7, $0x7  }
0xcc: {  	v8 =	vor.u32 v0, v8;
	_ =	sdelay $0x4  }
0xcd: {  	v8 =	vld.idx.msk [tilespmem:v8+s7+$0x0], $0xffff;
	_ =	sdelay $0x5  }
0xce: {  	v8 =	vmul.f32 v8, v5;
	_ =	sdelay $0x1  }
0xcf: {  	v9 =	vcvt.s32.f32 v8;
	_ =	sdelay $0x1  }
0xd0: {  	v9 =	vmul.f32 $8.262958320e-08, v9;
	_ =	sdelay $0x1  }
0xd1: {  	v9 =	vadd.f32 $-8.798997490e+01, v9;
	_ =	sdelay $0x1  }
0xd2: {  	v10 =	vsub.f32 $0.0e+00, v9;
	_ =	sdelay $0x1  }
0xd3: {  	v10 =	vmul.f32 $1.442695020e+00, v10;
	_ =	sdelay $0x1  }
0xd4: {  	(erf) = vpow2.f32 v10;
	_ =	sdelay $0x8  }
0xd5: {  	v10 =	vpop (erf)  }
0xd6: {  	v10 =	vmul.f32 v10, v8;
	_ =	sdelay $0x1  }
0xd7: {  	v9 =	vadd.f32 v10, v9;
	_ =	sdelay $0x1  }
0xd8: {  	v9 =	vadd.f32 $-1.000000000e+00, v9;
	_ =	sdelay $0x1  }
0xd9: {  	v10 =	vsub.f32 $0.0e+00, v9;
	_ =	sdelay $0x1  }
0xda: {  	v10 =	vmul.f32 $1.442695020e+00, v10;
	_ =	sdelay $0x1  }
0xdb: {  	v6 =	vadd.s32 $0x11, v6;
	(erf) = vpow2.f32 v10  }
0xdc: {  	v7 =	vadd.s32 $0x1, v7;
	_ =	sdelay $0x3  }
0xdd: {  	v6 =	vld.idx.msk [tilespmem:v6+s2+$0x0], $0xffff  }
0xde: {  	v7 =	vld.idx.msk [tilespmem:v7+s2+$0x0], $0xffff;
	_ =	sdelay $0x2  }
.Ltmp2:
0xdf: {  	v10 =	vpop (erf);
	(pc) =	sbr.rel @p0 .LBB2_6-.Ltmp2, $3  }
0xe0: {  	v8 =	vmul.f32 v10, v8;
	_ =	sdelay $0x1  }
0xe1: {  	v10 =	vmov s13;
	v7 =	vadd.f32 v7, v6;
	v8 =	vadd.f32 v8, v9  }
0xe2: {  	s13 =	sadd.s32 $0x1, s13;
	v6 =	vshll.u32 v10, $0x7  }
0xe3: {  	v7 =	vsub.f32 v7, v3;
	v8 =	vadd.f32 $-1.000000000e+00, v8;
	v4 =	vor.u32 v0, v4  }
0xe4: {  	v9 =	vor.u32 v1, v6  }
0xe5: {  	v7 =	vsub.f32 v7, v8  }
0xe6: {  	vm0 =	vgt.s32 v2, s11  }
0xe7: {  	v7 =	vnsel vm0, $0xFF800000, v7  }
0xe8: {  	[tilespmem:v4+s8+$0x0] =	vst.idx.msk $0xffff, v7  }
0xe9: {  	v4 =	vld.idx.msk [tilespmem:v9+s1+$0x0], $0xffff;
	_ =	sdelay $0x4  }
0xea: {  	v58 =	vshra.s32 v4, $0x4  }
0xeb: {  	v59 =	vshll.u32 v58, $0x7  }
0xec: {  	v8 =	vor.u32 v0, v59;
	_ =	sdelay $0x4  }
0xed: {  	v8 =	vld.idx.msk [tilespmem:v8+s7+$0x0], $0xffff;
	_ =	sdelay $0x4  }
0xee: {  	v5 =	vmul.f32 v8, v5;
	_ =	sdelay $0x1  }
0xef: {  	v8 =	vcvt.s32.f32 v5;
	_ =	sdelay $0x1  }
0xf0: {  	v8 =	vmul.f32 $8.262958320e-08, v8;
	_ =	sdelay $0x1  }
0xf1: {  	v8 =	vadd.f32 $-8.798997490e+01, v8;
	_ =	sdelay $0x1  }
0xf2: {  	v60 =	vsub.f32 $0.0e+00, v8;
	_ =	sdelay $0x1  }
0xf3: {  	v9 =	vmul.f32 $1.442695020e+00, v60;
	_ =	sdelay $0x1  }
0xf4: {  	(erf) = vpow2.f32 v9;
	_ =	sdelay $0x8  }
0xf5: {  	v9 =	vpop (erf)  }
0xf6: {  	v9 =	vmul.f32 v9, v5;
	_ =	sdelay $0x1  }
0xf7: {  	v8 =	vadd.f32 v9, v8;
	_ =	sdelay $0x1  }
0xf8: {  	v8 =	vadd.f32 $-1.000000000e+00, v8;
	_ =	sdelay $0x1  }
0xf9: {  	v61 =	vsub.f32 $0.0e+00, v8;
	_ =	sdelay $0x1  }
0xfa: {  	v9 =	vmul.f32 $1.442695020e+00, v61;
	_ =	sdelay $0x1  }
0xfb: {  	(erf) = vpow2.f32 v9  }
0xfc: {  	v4 =	vadd.s32 $0x11, v4  }
0xfd: {  	v7 =	vadd.s32 $0x1, v58;
	_ =	sdelay $0x3  }
0xfe: {  	v4 =	vld.idx.msk [tilespmem:v4+s2+$0x0], $0xffff  }
0xff: {  	v7 =	vld.idx.msk [tilespmem:v7+s2+$0x0], $0xffff;
	_ =	sdelay $0x1  }
0x100: {  	v9 =	vpop (erf)  }
0x101: {  	v5 =	vmul.f32 v9, v5;
	_ =	sdelay $0x1  }
0x102: {  	v4 =	vadd.f32 v7, v4;
	v5 =	vadd.f32 v5, v8;
	_ =	sdelay $0x1  }
0x103: {  	v63 =	vor.u32 v0, v6;
	v3 =	vsub.f32 v4, v3;
	v62 =	vadd.f32 $-1.000000000e+00, v5;
	_ =	sdelay $0x1  }
0x104: {  	v3 =	vsub.f32 v3, v62  }
0x105: {  	vm15 =	vgt.s32 v2, s12  }
0x106: {  	v2 =	vnsel vm15, $0xFF800000, v3  }
0x107: {  	[tilespmem:v63+s8+$0x0] =	vst.idx.msk $0xffff, v2  }
0x108: {  	[hbm4b:s5+s1] =	stream.linear.scatter [tilespmem:s8], [sflag:$0x4], $0x10, $0x38;
	[tilespmem:$0xAA00] =	vst v63  }
0x109: {  	s12 =	rddreg [dreg:$0x8];
	s13 =	simm.s32 $0xE80  }
0x10a: {  	[hbm4b:s12+s1] =	stream.linear.scatter [tilespmem:s13], [sflag:$0x4], $0x10, $0x38;
	[tilespmem:$0xAA00] =	vst v63  }
0x10b: {  	s12 =	rddreg [dreg:$0x9];
	s13 =	simm.s32 $0xF00  }
0x10c: {  	[hbm4b:s12+s1] =	stream.linear.scatter [tilespmem:s13], [sflag:$0x4], $0x10, $0x38;
	[tilespmem:$0xAA00] =	vst v63  }
0x10d: {  	s12 =	rddreg [dreg:$0xa];
	s13 =	simm.s32 $0xF80  }
0x10e: {  	[hbm4b:s12+s1] =	stream.linear.scatter [tilespmem:s13], [sflag:$0x4], $0x10, $0x38;
	[tilespmem:$0xAA00] =	vst v63  }
0x10f: {  	s13 =	rddreg [dreg:$0xb]  }
0x110: {  	[hbm4b:s13+s1] =	stream.linear.scatter [tilespmem:s30], [sflag:$0x4], $0x10, $0x38;
	[tilespmem:$0xAA00] =	vst v63  }
0x111: {  	s12 =	rddreg [dreg:$0xc];
	s13 =	simm.s32 $0x1080  }
0x112: {  	[hbm4b:s12+s1] =	stream.linear.scatter [tilespmem:s13], [sflag:$0x4], $0x10, $0x38;
	[tilespmem:$0xAA00] =	vst v63  }
0x113: {  	s12 =	rddreg [dreg:$0xd];
	s13 =	simm.s32 $0x1100  }
0x114: {  	[hbm4b:s12+s1] =	stream.linear.scatter [tilespmem:s13], [sflag:$0x4], $0x10, $0x38;
	[tilespmem:$0xAA00] =	vst v63  }
0x115: {  	s13 =	simm.s32 $0x1180  }
0x116: {  	[hbm4b:s14+s1] =	stream.linear.scatter [tilespmem:s13], [sflag:$0x4], $0x10, $0x38;
	[tilespmem:$0xAA00] =	vst v63  }
0x117: {  	s12 =	simm.s32 $0x1200  }
0x118: {  	[hbm4b:s15+s1] =	stream.linear.scatter [tilespmem:s12], [sflag:$0x4], $0x10, $0x38;
	[tilespmem:$0xAA00] =	vst v63  }
0x119: {  	s13 =	simm.s32 $0x1280  }
0x11a: {  	[hbm4b:s16+s1] =	stream.linear.scatter [tilespmem:s13], [sflag:$0x4], $0x10, $0x38;
	[tilespmem:$0xAA00] =	vst v63  }
0x11b: {  	s12 =	simm.s32 $0x1300  }
0x11c: {  	[hbm4b:s17+s1] =	stream.linear.scatter [tilespmem:s12], [sflag:$0x4], $0x10, $0x38;
	[tilespmem:$0xAA00] =	vst v63  }
0x11d: {  	s13 =	simm.s32 $0x1380  }
0x11e: {  	[hbm4b:s18+s1] =	stream.linear.scatter [tilespmem:s13], [sflag:$0x4], $0x10, $0x38;
	[tilespmem:$0xAA00] =	vst v63  }
0x11f: {  	s12 =	simm.s32 $0x1400  }
0x120: {  	[hbm4b:s19+s1] =	stream.linear.scatter [tilespmem:s12], [sflag:$0x4], $0x10, $0x38;
	[tilespmem:$0xAA00] =	vst v63  }
0x121: {  	s13 =	simm.s32 $0x1480  }
0x122: {  	[hbm4b:s20+s1] =	stream.linear.scatter [tilespmem:s13], [sflag:$0x4], $0x10, $0x38;
	[tilespmem:$0xAA00] =	vst v63  }
0x123: {  	s12 =	simm.s32 $0x1500  }
0x124: {  	[hbm4b:s21+s1] =	stream.linear.scatter [tilespmem:s12], [sflag:$0x4], $0x10, $0x38;
	[tilespmem:$0xAA00] =	vst v63  }
0x125: {  	s13 =	simm.s32 $0x1580  }
0x126: {  	[hbm4b:s22+s1] =	stream.linear.scatter [tilespmem:s13], [sflag:$0x4], $0x10, $0x38;
	[tilespmem:$0xAA00] =	vst v63  }
0x127: {  	s12 =	simm.s32 $0x1600  }
0x128: {  	[hbm4b:s23+s1] =	stream.linear.scatter [tilespmem:s12], [sflag:$0x4], $0x10, $0x38;
	[tilespmem:$0xAA00] =	vst v63  }
0x129: {  	s13 =	simm.s32 $0x1680  }
0x12a: {  	[hbm4b:s25+s1] =	stream.linear.scatter [tilespmem:s13], [sflag:$0x4], $0x10, $0x38;
	[tilespmem:$0xAA00] =	vst v63  }
0x12b: {  	s12 =	simm.s32 $0x1700  }
0x12c: {  	[hbm4b:s26+s1] =	stream.linear.scatter [tilespmem:s12], [sflag:$0x4], $0x10, $0x38;
	[tilespmem:$0xAA00] =	vst v63  }
0x12d: {  	s13 =	simm.s32 $0x1780  }
0x12e: {  	[hbm4b:s28+s1] =	stream.linear.scatter [tilespmem:s13], [sflag:$0x4], $0x10, $0x38;
	[tilespmem:$0xAA00] =	vst v63  }
0x12f: {  	_ =	swait.ge [sflag:s9], $0x10  }
0x130: {  	[sflag:s9] =	ssyncset.done $0x0  }
0x131: {  	[sflag:s9] =	ssyncadd.s32 $0xFFFFFFF0  }
0x132: {  	_ =	swait.ge [sflag:s9], $0x10  }
0x133: {  	[sflag:s9] =	ssyncset.done $0x0  }
0x134: {  	[sflag:s9] =	ssyncadd.s32 $0xFFFFFFF0  }
0x135: {  	_ =	swait.ge [sflag:s9], $0x10  }
0x136: {  	[sflag:s9] =	ssyncset.done $0x0  }
0x137: {  	[sflag:s9] =	ssyncadd.s32 $0xFFFFFFF0  }
0x138: {  	_ =	swait.ge [sflag:s9], $0x10  }
0x139: {  	[sflag:s9] =	ssyncset.done $0x0  }
0x13a: {  	[sflag:s9] =	ssyncadd.s32 $0xFFFFFFF0  }
0x13b: {  	_ =	swait.ge [sflag:s9], $0x10  }
0x13c: {  	[sflag:s9] =	ssyncset.done $0x0  }
0x13d: {  	[sflag:s9] =	ssyncadd.s32 $0xFFFFFFF0  }
0x13e: {  	_ =	swait.ge [sflag:s9], $0x10  }
0x13f: {  	[sflag:s9] =	ssyncset.done $0x0  }
0x140: {  	[sflag:s9] =	ssyncadd.s32 $0xFFFFFFF0  }
0x141: {  	_ =	swait.ge [sflag:s9], $0x10  }
0x142: {  	[sflag:s9] =	ssyncset.done $0x0  }
0x143: {  	[sflag:s9] =	ssyncadd.s32 $0xFFFFFFF0  }
0x144: {  	_ =	swait.ge [sflag:s9], $0x10  }
0x145: {  	[sflag:s9] =	ssyncset.done $0x0  }
0x146: {  	[sflag:s9] =	ssyncadd.s32 $0xFFFFFFF0  }
0x147: {  	_ =	swait.ge [sflag:s9], $0x10  }
0x148: {  	[sflag:s9] =	ssyncset.done $0x0  }
0x149: {  	[sflag:s9] =	ssyncadd.s32 $0xFFFFFFF0  }
0x14a: {  	_ =	swait.ge [sflag:s9], $0x10  }
0x14b: {  	[sflag:s9] =	ssyncset.done $0x0  }
0x14c: {  	[sflag:s9] =	ssyncadd.s32 $0xFFFFFFF0  }
0x14d: {  	_ =	swait.ge [sflag:s9], $0x10  }
0x14e: {  	[sflag:s9] =	ssyncset.done $0x0  }
0x14f: {  	[sflag:s9] =	ssyncadd.s32 $0xFFFFFFF0  }
0x150: {  	_ =	swait.ge [sflag:s9], $0x10  }
0x151: {  	[sflag:s9] =	ssyncset.done $0x0  }
0x152: {  	[sflag:s9] =	ssyncadd.s32 $0xFFFFFFF0  }
0x153: {  	_ =	swait.ge [sflag:s9], $0x10  }
0x154: {  	[sflag:s9] =	ssyncset.done $0x0  }
0x155: {  	[sflag:s9] =	ssyncadd.s32 $0xFFFFFFF0  }
0x156: {  	_ =	swait.ge [sflag:s9], $0x10  }
0x157: {  	[sflag:s9] =	ssyncset.done $0x0  }
0x158: {  	[sflag:s9] =	ssyncadd.s32 $0xFFFFFFF0  }
0x159: {  	_ =	swait.ge [sflag:s9], $0x10  }
0x15a: {  	[sflag:s9] =	ssyncset.done $0x0  }
0x15b: {  	[sflag:s9] =	ssyncadd.s32 $0xFFFFFFF0  }
0x15c: {  	_ =	swait.ge [sflag:s9], $0x10  }
0x15d: {  	[sflag:s9] =	ssyncset.done $0x0  }
0x15e: {  	[sflag:s9] =	ssyncadd.s32 $0xFFFFFFF0  }
0x15f: {  	_ =	swait.ge [sflag:s9], $0x10  }
0x160: {  	[sflag:s9] =	ssyncset.done $0x0  }
0x161: {  	[sflag:s9] =	ssyncadd.s32 $0xFFFFFFF0  }
0x162: {  	_ =	swait.ge [sflag:s9], $0x10  }
0x163: {  	[sflag:s9] =	ssyncset.done $0x0  }
0x164: {  	s10 =	sadd.s32 $0x1, s10;
	[sflag:s9] =	ssyncadd.s32 $0xFFFFFFF0  }
0x165: {  	p0 =	sne.s32 s10, s24;
	_ =	swait.ge [sflag:s9], $0x10  }
.Ltmp3:
0x166: {  	[sflag:s9] =	ssyncset.done $0x0;
	(pc) =	sbr.rel @p0 .LBB2_1-.Ltmp3, $4  }
0x167: {  	[sflag:s9] =	ssyncadd.s32 $0xFFFFFFF0  }
0x168: {  	_ =	swait.ge [sflag:s9], $0x10  }
0x169: {  	[sflag:s9] =	ssyncset.done $0x0  }
0x16a: {  	[sflag:s9] =	ssyncadd.s32 $0xFFFFFFF0  }
0x16b: {  	_ =	sfence.sel $0x180000  }
0x16c: {  	[bflag:$0x0] =	sbarrier.arrive $0xFFFF  }
0x16d: {  	_ =	strace $0x90000047  }
0x16e: {  	s0 =	stileid.u32;
	[bflag:$0x2] =	sbarrier.arrive $0xFFFF  }
0x16f: {  	p0 =	sne.s32 s0, $0x0;
	s0 =	rddreg [dreg:$0x4]  }
0x170: {  	s0 =	sadd.s32 @!p0 $0x100000, s0  }
0x171: {  	[sflag:s0] =	ssyncadd.tile.s32 @!p0 $0x1;
	_ =	shalt  }
.Lfunc_end2:
_tile_overlayer_lowered:
.L_overlay_start_2:
0x172: {  	(tag) =	ssettag $0x2  }
0x173: {  	s0 =	rddreg [dreg:$0x0];
	s2 =	stileid.u32  }
0x174: {  	s1 =	rddreg [dreg:$0x1];
	p0 =	sne.s32 s2, $0x0  }
0x175: {  	s3 =	rddreg [dreg:$0x2];
	[bflag:$0x3] =	sbarrier.arrive $0xFFFF;
	s2 =	simm.s32 @!p0 $0x1C05  }
0x176: {  	[timem:s3], [sflag:s2] =	dma.local @!p0 [hbm:s0], s1  }
0x177: {  	s0 =	simm.s32 @!p0 $0x5  }
0x178: {  	_ =	swait.ge @!p0 [sflag:s0], s1  }
0x179: {  	s1 =	ssub.s32 @!p0 $0x0, s1;
	[sflag:s0] =	ssyncset.done @!p0 $0x0  }
0x17a: {  	[sflag:s0] =	ssyncadd.s32 @!p0 s1  }
0x17b: {  	[bflag:$0x3] =	sbarrier.arrive $0xFFFF  }
0x17c: {  	_ =	shalt  }

</sc_bundles>
